<compile_context>
chip_gen: v7x
topology: tpu7x:2x2x1
jax: 0.10.2.dev20260603
libtpu: 0.0.44.dev20260713+nightly
codegen_flags: <defaults>
</compile_context>

<pallas_src>
import functools

import jax
import jax.numpy as jnp
from jax import lax
from jax.experimental import pallas as pl
from jax.experimental.pallas import tpu as pltpu
from jax.experimental.pallas import tpu_sc as plsc

N = 10000
FEAT = 128
HID = 32
EMB = 16

NC = 2
NS = 16
NW = NC * NS
W = 128
CHUNK = 128
CPW = 80
E_PAD = NW * CPW * CHUNK
EPW = CPW * CHUNK
N_PAD = 10112
ROWS_PER_SUB = N_PAD // NS

_mesh = plsc.VectorSubcoreMesh(
    core_axis_name="c", subcore_axis_name="s", num_cores=NC, num_subcores=NS)


def _sc_degree_body(dst_hbm, zeros_hbm, ones_hbm, out_hbm, dstrow, ones_v, deg_sp):
    c = lax.axis_index("c")
    s = lax.axis_index("s")
    wid = s * NC + c
    rows = pl.ds(s * ROWS_PER_SUB, ROWS_PER_SUB)
    pltpu.sync_copy(zeros_hbm.at[rows], deg_sp.at[rows])
    pltpu.sync_copy(ones_hbm, ones_v)
    plsc.subcore_barrier()

    def body(j, carry):
        pltpu.sync_copy(dst_hbm.at[pl.ds(wid * EPW + j * CHUNK, CHUNK)], dstrow)
        pltpu.sync_copy(ones_v, deg_sp.at[dstrow], add=True)
        return carry

    lax.fori_loop(0, CPW, body, 0)
    plsc.subcore_barrier()
    pltpu.sync_copy(deg_sp.at[rows], out_hbm.at[c, rows])


_sc_degree = pl.kernel(
    _sc_degree_body,
    out_type=jax.ShapeDtypeStruct((NC, N_PAD, W), jnp.float32),
    mesh=_mesh,
    scratch_types=[
        pltpu.VMEM((CHUNK,), jnp.int32),
        pltpu.VMEM((CHUNK, W), jnp.float32),
        pltpu.VMEM_SHARED((N_PAD, W), jnp.float32),
    ],
)


def _sc_agg_body(hs_hbm, src_hbm, dst_hbm, zeros_hbm, out_hbm,
                 srcA, srcB, dstA, dstB, rowsA, rowsB,
                 semGA, semGB, agg_sp):
    c = lax.axis_index("c")
    s = lax.axis_index("s")
    wid = s * NC + c
    rows = pl.ds(s * ROWS_PER_SUB, ROWS_PER_SUB)
    pltpu.sync_copy(zeros_hbm.at[rows], agg_sp.at[rows])
    plsc.subcore_barrier()

    def body(g, carry):
        base = wid * EPW + g * (2 * CHUNK)
        pltpu.sync_copy(src_hbm.at[pl.ds(base, CHUNK)], srcA)
        pltpu.sync_copy(src_hbm.at[pl.ds(base + CHUNK, CHUNK)], srcB)
        pltpu.sync_copy(dst_hbm.at[pl.ds(base, CHUNK)], dstA)
        pltpu.sync_copy(dst_hbm.at[pl.ds(base + CHUNK, CHUNK)], dstB)
        ga = pltpu.async_copy(hs_hbm.at[srcA], rowsA, semGA)
        gb = pltpu.async_copy(hs_hbm.at[srcB], rowsB, semGB)
        ga.wait()
        pltpu.sync_copy(rowsA, agg_sp.at[dstA], add=True)
        gb.wait()
        pltpu.sync_copy(rowsB, agg_sp.at[dstB], add=True)
        return carry

    lax.fori_loop(0, CPW // 2, body, 0)
    plsc.subcore_barrier()
    pltpu.sync_copy(agg_sp.at[rows], out_hbm.at[c, rows])


_sc_agg = pl.kernel(
    _sc_agg_body,
    out_type=jax.ShapeDtypeStruct((NC, N_PAD, W), jnp.float32),
    mesh=_mesh,
    scratch_types=[
        pltpu.VMEM((CHUNK,), jnp.int32),
        pltpu.VMEM((CHUNK,), jnp.int32),
        pltpu.VMEM((CHUNK,), jnp.int32),
        pltpu.VMEM((CHUNK,), jnp.int32),
        pltpu.VMEM((CHUNK, W), jnp.float32),
        pltpu.VMEM((CHUNK, W), jnp.float32),
        pltpu.SemaphoreType.DMA,
        pltpu.SemaphoreType.DMA,
        pltpu.VMEM_SHARED((N_PAD, W), jnp.float32),
    ],
)


def _dinv_from(degp_ref):
    deg = degp_ref[0, :, 0:1] + degp_ref[1, :, 0:1] + 1.0
    return lax.rsqrt(deg)


def _tc_a_body(x_ref, w1_ref, degp_ref, hs_ref):
    dinv = _dinv_from(degp_ref)
    h = jnp.dot(x_ref[...], w1_ref[...], preferred_element_type=jnp.float32)
    hs_ref[...] = jnp.concatenate(
        [h * dinv, jnp.zeros((h.shape[0], W - HID), jnp.float32)], axis=1)


def _tc_b_body(aggp_ref, hs1_ref, degp_ref, b1_ref, w2_ref, hs2_ref):
    dinv = _dinv_from(degp_ref)
    agg = (aggp_ref[0] + aggp_ref[1] + hs1_ref[...])[:, :HID]
    out1 = jax.nn.relu(agg * dinv + b1_ref[...])
    h2 = jnp.dot(out1, w2_ref[...], preferred_element_type=jnp.float32)
    hs2_ref[...] = jnp.concatenate(
        [h2 * dinv, jnp.zeros((h2.shape[0], W - EMB), jnp.float32)], axis=1)


def _tc_c_body(aggp_ref, hs2_ref, degp_ref, b2_ref, z_ref):
    dinv = _dinv_from(degp_ref)
    agg = (aggp_ref[0] + aggp_ref[1] + hs2_ref[...])[:, :EMB]
    z_ref[...] = agg * dinv + b2_ref[...]


def kernel(x, ei, W1, b1, W2, b2):
    x_pad = jnp.pad(x, ((0, N_PAD - N), (0, 0)))
    ei_pad = jnp.pad(ei, ((0, 0), (0, E_PAD - ei.shape[1])), constant_values=N)
    src_flat = ei_pad[0]
    dst_flat = ei_pad[1]
    zeros_w = jnp.zeros((N_PAD, W), jnp.float32)
    ones_w = jnp.ones((CHUNK, W), jnp.float32)

    degp = _sc_degree(dst_flat, zeros_w, ones_w)

    hs1 = pl.pallas_call(
        _tc_a_body,
        out_shape=jax.ShapeDtypeStruct((N_PAD, W), jnp.float32),
    )(x_pad, W1, degp)

    aggp1 = _sc_agg(hs1, src_flat, dst_flat, zeros_w)

    hs2 = pl.pallas_call(
        _tc_b_body,
        out_shape=jax.ShapeDtypeStruct((N_PAD, W), jnp.float32),
    )(aggp1, hs1, degp, b1, W2)

    aggp2 = _sc_agg(hs2, src_flat, dst_flat, zeros_w)

    z_pad = pl.pallas_call(
        _tc_c_body,
        out_shape=jax.ShapeDtypeStruct((N_PAD, EMB), jnp.float32),
    )(aggp2, hs2, degp, b2)

    return z_pad[:N]

# --- scband reference (transcript-rebuilt; emitter-appended) ---
"""Pipeline reference for scband-gae-6365141532813 (READ-ONLY COPY).

The authoritative reference and input builder live on the scoring server;
editing this copy changes nothing except your own understanding.
"""

import jax, jax.numpy as jnp
import numpy as np

N_NODES = 10000
N_EDGES = 320000
FEAT = 128
HID = 32
EMB = 16


def gcn_conv(x, src, dst, W, b, n_nodes):
    # add self loops
    loop = jnp.arange(n_nodes, dtype=src.dtype)
    src = jnp.concatenate([src, loop])
    dst = jnp.concatenate([dst, loop])
    ew = jnp.ones(src.shape[0], dtype=x.dtype)
    # symmetric normalization D^{-1/2} A D^{-1/2}
    deg = jnp.zeros(n_nodes, dtype=x.dtype).at[dst].add(ew)
    deg_inv_sqrt = jnp.where(deg > 0, deg ** -0.5, 0.0)
    norm = deg_inv_sqrt[src] * ew * deg_inv_sqrt[dst]
    h = x @ W
    msg = h[src] * norm[:, None]
    out = jnp.zeros((n_nodes, W.shape[1]), dtype=x.dtype).at[dst].add(msg)
    return out + b


def setup_inputs(seed: int = 0):
    key = jax.random.key(seed)
    k1, k2, k3, k4, k5, k6 = jax.random.split(key, 6)
    x = jax.random.normal(k1, (N_NODES, FEAT), dtype=jnp.float32)
    ei = jax.random.randint(k2, (2, N_EDGES), 0, N_NODES, dtype=jnp.int32)
    W1 = jax.random.normal(k3, (FEAT, HID), dtype=jnp.float32) * (1.0 / np.sqrt(FEAT))
    b1 = jnp.zeros((HID,), dtype=jnp.float32)
    W2 = jax.random.normal(k4, (HID, EMB), dtype=jnp.float32) * (1.0 / np.sqrt(HID))
    b2 = jnp.zeros((EMB,), dtype=jnp.float32)
    return {"x": x, "ei": ei, "W1": W1, "b1": b1, "W2": W2, "b2": b2}


def reference(x, ei, W1, b1, W2, b2):
    # DropEdge(0.8) and Dropout(0.25) are identity in eval mode (deterministic reference)
    src, dst = ei[0], ei[1]
    h = gcn_conv(x, src, dst, W1, b1, N_NODES)
    h = jax.nn.relu(h)
    z = gcn_conv(h, src, dst, W2, b2, N_NODES)
    return z

if __name__ == "__main__":
    import jax
    _d = setup_inputs()
    print(jax.jit(kernel)(*tuple(_d.values())))

</pallas_src>

<mosaic_0001>
#map = affine_map<(d0, d1) -> (0, 0)>
#map1 = affine_map<(d0, d1) -> (0)>
#map2 = affine_map<(d0, d1) -> (0, 0, 0)>
module attributes {stable_mosaic.version = 14 : i64} {
  func.func @_sc_agg_body(%arg0: i32, %arg1: i32, %arg2: memref<10112x128xf32, #tpu.memory_space<hbm>>, %arg3: memref<327680xi32, #tpu.memory_space<hbm>>, %arg4: memref<327680xi32, #tpu.memory_space<hbm>>, %arg5: memref<10112x128xf32, #tpu.memory_space<hbm>>, %arg6: memref<2x10112x128xf32, #tpu.memory_space<hbm>>, %arg7: memref<128xi32, #tpu.memory_space<vmem>>, %arg8: memref<128xi32, #tpu.memory_space<vmem>>, %arg9: memref<128xi32, #tpu.memory_space<vmem>>, %arg10: memref<128xi32, #tpu.memory_space<vmem>>, %arg11: memref<128x128xf32, #tpu.memory_space<vmem>>, %arg12: memref<128x128xf32, #tpu.memory_space<vmem>>, %arg13: memref<!tpu.dma_semaphore, #tpu.memory_space<semaphore_mem>>, %arg14: memref<!tpu.dma_semaphore, #tpu.memory_space<semaphore_mem>>, %arg15: memref<10112x128xf32, #tpu.memory_space<vmem_shared>>) attributes {dimension_semantics = [#tpu.dimension_semantics<core_parallel>, #tpu.dimension_semantics<subcore_parallel>], iteration_bounds = array<i64: 2, 16>, scalar_prefetch = 0 : i64, scratch_operands = 9 : i64, tpu.core_type = #tpu.core_type<sc_vector_subcore>, window_params = [{transform_indices = #map}, {transform_indices = #map1}, {transform_indices = #map1}, {transform_indices = #map}, {transform_indices = #map2}]} {
    %mul3A = arith.constant 2 : i32
    %mul3A_0 = arith.muli %arg1, %mul3A : i32
    %add3A = arith.addi %mul3A_0, %arg0 : i32
    %mul3A_1 = arith.constant 632 : i32
    %mul3A_2 = arith.muli %arg1, %mul3A_1 : i32
    "tpu.region"() ({
      %run_scoped3A = tpu.sem_alloc : memref<!tpu.dma_semaphore, #tpu.memory_space<semaphore_mem>>
      %dma_start3A = arith.constant 0 : i32
      %dma_start3A_9 = tpu.memref_slice %arg15[%mul3A_2, %dma_start3A] : memref<10112x128xf32, #tpu.memory_space<vmem_shared>> -> memref<632x128xf32, #tpu.memory_space<vmem_shared>>
      %dma_start3A_10 = arith.constant 0 : i32
      %dma_start3A_11 = tpu.memref_slice %arg5[%mul3A_2, %dma_start3A_10] : memref<10112x128xf32, #tpu.memory_space<hbm>> -> memref<632x128xf32, #tpu.memory_space<hbm>>
      tpu.enqueue_dma source(%dma_start3A_11 : memref<632x128xf32, #tpu.memory_space<hbm>>) target(%dma_start3A_9 : memref<632x128xf32, #tpu.memory_space<vmem_shared>>) target_semaphore(%run_scoped3A : memref<!tpu.dma_semaphore, #tpu.memory_space<semaphore_mem>>)
      %dma_wait3A = arith.constant 0 : i32
      %dma_wait3A_12 = tpu.memref_slice %arg15[%mul3A_2, %dma_wait3A] : memref<10112x128xf32, #tpu.memory_space<vmem_shared>> -> memref<632x128xf32, #tpu.memory_space<vmem_shared>>
      %dma_wait3A_13 = arith.constant 0 : i32
      %dma_wait3A_14 = tpu.memref_slice %arg5[%mul3A_2, %dma_wait3A_13] : memref<10112x128xf32, #tpu.memory_space<hbm>> -> memref<632x128xf32, #tpu.memory_space<hbm>>
      tpu.wait_dma2 semaphore(%run_scoped3A : memref<!tpu.dma_semaphore, #tpu.memory_space<semaphore_mem>>) src(%dma_wait3A_14 : memref<632x128xf32, #tpu.memory_space<hbm>>) dst(%dma_wait3A_12 : memref<632x128xf32, #tpu.memory_space<vmem_shared>>)
      tpu.yield
    }) : () -> ()
    %barrier3A = arith.constant 0 : index
    tpu.barrier barrier_id(%barrier3A)
    %scan3A = arith.constant 0 : i32
    %scan3A_3 = arith.constant 0 : i32
    %scan3A_4 = arith.constant 40 : i32
    %scan3A_5 = arith.addi %scan3A_3, %scan3A_4 : i32
    %scan3A_6 = arith.constant 1 : i32
    scf.for %scan3A_9 = %scan3A_3 to %scan3A_5 step %scan3A_6  : i32 {
      %mul3A_10 = arith.constant 10240 : i32
      %mul3A_11 = arith.muli %add3A, %mul3A_10 : i32
      %mul3A_12 = arith.constant 256 : i32
      %mul3A_13 = arith.muli %scan3A_9, %mul3A_12 : i32
      %add3A_14 = arith.addi %mul3A_11, %mul3A_13 : i32
      "tpu.region"() ({
        %run_scoped3A = tpu.sem_alloc : memref<!tpu.dma_semaphore, #tpu.memory_space<semaphore_mem>>
        %dma_start3A_29 = tpu.memref_slice %arg3[%add3A_14] : memref<327680xi32, #tpu.memory_space<hbm>> -> memref<128xi32, #tpu.memory_space<hbm>>
        %dma_start3A_30 = tpu.memref_slice %arg3[%add3A_14] : memref<327680xi32, #tpu.memory_space<hbm>> -> memref<128xi32, #tpu.memory_space<hbm>>
        tpu.enqueue_dma source(%dma_start3A_30 : memref<128xi32, #tpu.memory_space<hbm>>) target(%arg7 : memref<128xi32, #tpu.memory_space<vmem>>) target_semaphore(%run_scoped3A : memref<!tpu.dma_semaphore, #tpu.memory_space<semaphore_mem>>)
        %dma_wait3A_31 = tpu.memref_slice %arg3[%add3A_14] : memref<327680xi32, #tpu.memory_space<hbm>> -> memref<128xi32, #tpu.memory_space<hbm>>
        %dma_wait3A_32 = tpu.memref_slice %arg3[%add3A_14] : memref<327680xi32, #tpu.memory_space<hbm>> -> memref<128xi32, #tpu.memory_space<hbm>>
        tpu.wait_dma2 semaphore(%run_scoped3A : memref<!tpu.dma_semaphore, #tpu.memory_space<semaphore_mem>>) src(%dma_wait3A_32 : memref<128xi32, #tpu.memory_space<hbm>>) dst(%arg7 : memref<128xi32, #tpu.memory_space<vmem>>)
        tpu.yield
      }) : () -> ()
      %add3A_15 = arith.constant 128 : i32
      %add3A_16 = arith.addi %add3A_14, %add3A_15 : i32
      "tpu.region"() ({
        %run_scoped3A = tpu.sem_alloc : memref<!tpu.dma_semaphore, #tpu.memory_space<semaphore_mem>>
        %dma_start3A_29 = tpu.memref_slice %arg3[%add3A_16] : memref<327680xi32, #tpu.memory_space<hbm>> -> memref<128xi32, #tpu.memory_space<hbm>>
        %dma_start3A_30 = tpu.memref_slice %arg3[%add3A_16] : memref<327680xi32, #tpu.memory_space<hbm>> -> memref<128xi32, #tpu.memory_space<hbm>>
        tpu.enqueue_dma source(%dma_start3A_30 : memref<128xi32, #tpu.memory_space<hbm>>) target(%arg8 : memref<128xi32, #tpu.memory_space<vmem>>) target_semaphore(%run_scoped3A : memref<!tpu.dma_semaphore, #tpu.memory_space<semaphore_mem>>)
        %dma_wait3A_31 = tpu.memref_slice %arg3[%add3A_16] : memref<327680xi32, #tpu.memory_space<hbm>> -> memref<128xi32, #tpu.memory_space<hbm>>
        %dma_wait3A_32 = tpu.memref_slice %arg3[%add3A_16] : memref<327680xi32, #tpu.memory_space<hbm>> -> memref<128xi32, #tpu.memory_space<hbm>>
        tpu.wait_dma2 semaphore(%run_scoped3A : memref<!tpu.dma_semaphore, #tpu.memory_space<semaphore_mem>>) src(%dma_wait3A_32 : memref<128xi32, #tpu.memory_space<hbm>>) dst(%arg8 : memref<128xi32, #tpu.memory_space<vmem>>)
        tpu.yield
      }) : () -> ()
      "tpu.region"() ({
        %run_scoped3A = tpu.sem_alloc : memref<!tpu.dma_semaphore, #tpu.memory_space<semaphore_mem>>
        %dma_start3A_29 = tpu.memref_slice %arg4[%add3A_14] : memref<327680xi32, #tpu.memory_space<hbm>> -> memref<128xi32, #tpu.memory_space<hbm>>
        %dma_start3A_30 = tpu.memref_slice %arg4[%add3A_14] : memref<327680xi32, #tpu.memory_space<hbm>> -> memref<128xi32, #tpu.memory_space<hbm>>
        tpu.enqueue_dma source(%dma_start3A_30 : memref<128xi32, #tpu.memory_space<hbm>>) target(%arg9 : memref<128xi32, #tpu.memory_space<vmem>>) target_semaphore(%run_scoped3A : memref<!tpu.dma_semaphore, #tpu.memory_space<semaphore_mem>>)
        %dma_wait3A_31 = tpu.memref_slice %arg4[%add3A_14] : memref<327680xi32, #tpu.memory_space<hbm>> -> memref<128xi32, #tpu.memory_space<hbm>>
        %dma_wait3A_32 = tpu.memref_slice %arg4[%add3A_14] : memref<327680xi32, #tpu.memory_space<hbm>> -> memref<128xi32, #tpu.memory_space<hbm>>
        tpu.wait_dma2 semaphore(%run_scoped3A : memref<!tpu.dma_semaphore, #tpu.memory_space<semaphore_mem>>) src(%dma_wait3A_32 : memref<128xi32, #tpu.memory_space<hbm>>) dst(%arg9 : memref<128xi32, #tpu.memory_space<vmem>>)
        tpu.yield
      }) : () -> ()
      %add3A_17 = arith.constant 128 : i32
      %add3A_18 = arith.addi %add3A_14, %add3A_17 : i32
      "tpu.region"() ({
        %run_scoped3A = tpu.sem_alloc : memref<!tpu.dma_semaphore, #tpu.memory_space<semaphore_mem>>
        %dma_start3A_29 = tpu.memref_slice %arg4[%add3A_18] : memref<327680xi32, #tpu.memory_space<hbm>> -> memref<128xi32, #tpu.memory_space<hbm>>
        %dma_start3A_30 = tpu.memref_slice %arg4[%add3A_18] : memref<327680xi32, #tpu.memory_space<hbm>> -> memref<128xi32, #tpu.memory_space<hbm>>
        tpu.enqueue_dma source(%dma_start3A_30 : memref<128xi32, #tpu.memory_space<hbm>>) target(%arg10 : memref<128xi32, #tpu.memory_space<vmem>>) target_semaphore(%run_scoped3A : memref<!tpu.dma_semaphore, #tpu.memory_space<semaphore_mem>>)
        %dma_wait3A_31 = tpu.memref_slice %arg4[%add3A_18] : memref<327680xi32, #tpu.memory_space<hbm>> -> memref<128xi32, #tpu.memory_space<hbm>>
        %dma_wait3A_32 = tpu.memref_slice %arg4[%add3A_18] : memref<327680xi32, #tpu.memory_space<hbm>> -> memref<128xi32, #tpu.memory_space<hbm>>
        tpu.wait_dma2 semaphore(%run_scoped3A : memref<!tpu.dma_semaphore, #tpu.memory_space<semaphore_mem>>) src(%dma_wait3A_32 : memref<128xi32, #tpu.memory_space<hbm>>) dst(%arg10 : memref<128xi32, #tpu.memory_space<vmem>>)
        tpu.yield
      }) : () -> ()
      %dma_start3A = arith.constant 0 : i32
      %dma_start3A_19 = arith.constant 0 : i32
      %dma_start3A_20 = tpu.memref_slice %arg2[%dma_start3A, %dma_start3A_19] : memref<10112x128xf32, #tpu.memory_space<hbm>> -> memref<10112x128xf32, #tpu.memory_space<hbm>>
      tpu.enqueue_indirect_dma source(%dma_start3A_20 : memref<10112x128xf32, #tpu.memory_space<hbm>>) target(%arg11 : memref<128x128xf32, #tpu.memory_space<vmem>>) offsets(%arg7 : memref<128xi32, #tpu.memory_space<vmem>>) semaphore(%arg13 : memref<!tpu.dma_semaphore, #tpu.memory_space<semaphore_mem>>)
      %dma_start3A_21 = arith.constant 0 : i32
      %dma_start3A_22 = arith.constant 0 : i32
      %dma_start3A_23 = tpu.memref_slice %arg2[%dma_start3A_21, %dma_start3A_22] : memref<10112x128xf32, #tpu.memory_space<hbm>> -> memref<10112x128xf32, #tpu.memory_space<hbm>>
      tpu.enqueue_indirect_dma source(%dma_start3A_23 : memref<10112x128xf32, #tpu.memory_space<hbm>>) target(%arg12 : memref<128x128xf32, #tpu.memory_space<vmem>>) offsets(%arg8 : memref<128xi32, #tpu.memory_space<vmem>>) semaphore(%arg14 : memref<!tpu.dma_semaphore, #tpu.memory_space<semaphore_mem>>)
      %dma_wait3A = arith.constant 0 : i32
      %dma_wait3A_24 = arith.constant 0 : i32
      %dma_wait3A_25 = tpu.memref_slice %arg2[%dma_wait3A, %dma_wait3A_24] : memref<10112x128xf32, #tpu.memory_space<hbm>> -> memref<10112x128xf32, #tpu.memory_space<hbm>>
      tpu.wait_indirect_dma semaphore(%arg13 : memref<!tpu.dma_semaphore, #tpu.memory_space<semaphore_mem>>) src(%dma_wait3A_25 : memref<10112x128xf32, #tpu.memory_space<hbm>>) dst(%arg11 : memref<128x128xf32, #tpu.memory_space<vmem>>)
      "tpu.region"() ({
        %run_scoped3A = tpu.sem_alloc : memref<!tpu.dma_semaphore, #tpu.memory_space<semaphore_mem>>
        %dma_start3A_29 = arith.constant 0 : i32
        %dma_start3A_30 = arith.constant 0 : i32
        %dma_start3A_31 = tpu.memref_slice %arg15[%dma_start3A_29, %dma_start3A_30] : memref<10112x128xf32, #tpu.memory_space<vmem_shared>> -> memref<10112x128xf32, #tpu.memory_space<vmem_shared>>
        tpu.enqueue_indirect_dma source(%arg11 : memref<128x128xf32, #tpu.memory_space<vmem>>) target(%dma_start3A_31 : memref<10112x128xf32, #tpu.memory_space<vmem_shared>>) offsets(%arg9 : memref<128xi32, #tpu.memory_space<vmem>>) semaphore(%run_scoped3A : memref<!tpu.dma_semaphore, #tpu.memory_space<semaphore_mem>>) {add = true}
        %dma_wait3A_32 = arith.constant 0 : i32
        %dma_wait3A_33 = arith.constant 0 : i32
        %dma_wait3A_34 = tpu.memref_slice %arg15[%dma_wait3A_32, %dma_wait3A_33] : memref<10112x128xf32, #tpu.memory_space<vmem_shared>> -> memref<10112x128xf32, #tpu.memory_space<vmem_shared>>
        tpu.wait_indirect_dma semaphore(%run_scoped3A : memref<!tpu.dma_semaphore, #tpu.memory_space<semaphore_mem>>) src(%arg11 : memref<128x128xf32, #tpu.memory_space<vmem>>) dst(%dma_wait3A_34 : memref<10112x128xf32, #tpu.memory_space<vmem_shared>>)
        tpu.yield
      }) : () -> ()
      %dma_wait3A_26 = arith.constant 0 : i32
      %dma_wait3A_27 = arith.constant 0 : i32
      %dma_wait3A_28 = tpu.memref_slice %arg2[%dma_wait3A_26, %dma_wait3A_27] : memref<10112x128xf32, #tpu.memory_space<hbm>> -> memref<10112x128xf32, #tpu.memory_space<hbm>>
      tpu.wait_indirect_dma semaphore(%arg14 : memref<!tpu.dma_semaphore, #tpu.memory_space<semaphore_mem>>) src(%dma_wait3A_28 : memref<10112x128xf32, #tpu.memory_space<hbm>>) dst(%arg12 : memref<128x128xf32, #tpu.memory_space<vmem>>)
      "tpu.region"() ({
        %run_scoped3A = tpu.sem_alloc : memref<!tpu.dma_semaphore, #tpu.memory_space<semaphore_mem>>
        %dma_start3A_29 = arith.constant 0 : i32
        %dma_start3A_30 = arith.constant 0 : i32
        %dma_start3A_31 = tpu.memref_slice %arg15[%dma_start3A_29, %dma_start3A_30] : memref<10112x128xf32, #tpu.memory_space<vmem_shared>> -> memref<10112x128xf32, #tpu.memory_space<vmem_shared>>
        tpu.enqueue_indirect_dma source(%arg12 : memref<128x128xf32, #tpu.memory_space<vmem>>) target(%dma_start3A_31 : memref<10112x128xf32, #tpu.memory_space<vmem_shared>>) offsets(%arg10 : memref<128xi32, #tpu.memory_space<vmem>>) semaphore(%run_scoped3A : memref<!tpu.dma_semaphore, #tpu.memory_space<semaphore_mem>>) {add = true}
        %dma_wait3A_32 = arith.constant 0 : i32
        %dma_wait3A_33 = arith.constant 0 : i32
        %dma_wait3A_34 = tpu.memref_slice %arg15[%dma_wait3A_32, %dma_wait3A_33] : memref<10112x128xf32, #tpu.memory_space<vmem_shared>> -> memref<10112x128xf32, #tpu.memory_space<vmem_shared>>
        tpu.wait_indirect_dma semaphore(%run_scoped3A : memref<!tpu.dma_semaphore, #tpu.memory_space<semaphore_mem>>) src(%arg12 : memref<128x128xf32, #tpu.memory_space<vmem>>) dst(%dma_wait3A_34 : memref<10112x128xf32, #tpu.memory_space<vmem_shared>>)
        tpu.yield
      }) : () -> ()
    }
    %scan3A_7 = arith.constant 40 : i32
    %barrier3A_8 = arith.constant 0 : index
    tpu.barrier barrier_id(%barrier3A_8)
    "tpu.region"() ({
      %run_scoped3A = tpu.sem_alloc : memref<!tpu.dma_semaphore, #tpu.memory_space<semaphore_mem>>
      %dma_start3A = arith.constant 0 : i32
      %dma_start3A_9 = tpu.memref_slice %arg6[%arg0, %mul3A_2, %dma_start3A] : memref<2x10112x128xf32, #tpu.memory_space<hbm>> -> memref<1x632x128xf32, #tpu.memory_space<hbm>>
      %dma_start3A_10 = tpu.memref_squeeze %dma_start3A_9 : memref<1x632x128xf32, #tpu.memory_space<hbm>> -> memref<632x128xf32, #tpu.memory_space<hbm>>
      %dma_start3A_11 = arith.constant 0 : i32
      %dma_start3A_12 = tpu.memref_slice %arg15[%mul3A_2, %dma_start3A_11] : memref<10112x128xf32, #tpu.memory_space<vmem_shared>> -> memref<632x128xf32, #tpu.memory_space<vmem_shared>>
      tpu.enqueue_dma source(%dma_start3A_12 : memref<632x128xf32, #tpu.memory_space<vmem_shared>>) target(%dma_start3A_10 : memref<632x128xf32, #tpu.memory_space<hbm>>) target_semaphore(%run_scoped3A : memref<!tpu.dma_semaphore, #tpu.memory_space<semaphore_mem>>)
      %dma_wait3A = arith.constant 0 : i32
      %dma_wait3A_13 = tpu.memref_slice %arg6[%arg0, %mul3A_2, %dma_wait3A] : memref<2x10112x128xf32, #tpu.memory_space<hbm>> -> memref<1x632x128xf32, #tpu.memory_space<hbm>>
      %dma_wait3A_14 = tpu.memref_squeeze %dma_wait3A_13 : memref<1x632x128xf32, #tpu.memory_space<hbm>> -> memref<632x128xf32, #tpu.memory_space<hbm>>
      %dma_wait3A_15 = arith.constant 0 : i32
      %dma_wait3A_16 = tpu.memref_slice %arg15[%mul3A_2, %dma_wait3A_15] : memref<10112x128xf32, #tpu.memory_space<vmem_shared>> -> memref<632x128xf32, #tpu.memory_space<vmem_shared>>
      tpu.wait_dma2 semaphore(%run_scoped3A : memref<!tpu.dma_semaphore, #tpu.memory_space<semaphore_mem>>) src(%dma_wait3A_16 : memref<632x128xf32, #tpu.memory_space<vmem_shared>>) dst(%dma_wait3A_14 : memref<632x128xf32, #tpu.memory_space<hbm>>)
      tpu.yield
    }) : () -> ()
    return
  }
}

#map = affine_map<(d0, d1) -> (0)>
#map1 = affine_map<(d0, d1) -> (0, 0)>
#map2 = affine_map<(d0, d1) -> (0, 0, 0)>
module attributes {stable_mosaic.version = 14 : i64} {
  func.func @_sc_degree_body(%arg0: i32, %arg1: i32, %arg2: memref<327680xi32, #tpu.memory_space<hbm>>, %arg3: memref<10112x128xf32, #tpu.memory_space<hbm>>, %arg4: memref<128x128xf32, #tpu.memory_space<hbm>>, %arg5: memref<2x10112x128xf32, #tpu.memory_space<hbm>>, %arg6: memref<128xi32, #tpu.memory_space<vmem>>, %arg7: memref<128x128xf32, #tpu.memory_space<vmem>>, %arg8: memref<10112x128xf32, #tpu.memory_space<vmem_shared>>) attributes {dimension_semantics = [#tpu.dimension_semantics<core_parallel>, #tpu.dimension_semantics<subcore_parallel>], iteration_bounds = array<i64: 2, 16>, scalar_prefetch = 0 : i64, scratch_operands = 3 : i64, tpu.core_type = #tpu.core_type<sc_vector_subcore>, window_params = [{transform_indices = #map}, {transform_indices = #map1}, {transform_indices = #map1}, {transform_indices = #map2}]} {
    %mul3A = arith.constant 2 : i32
    %mul3A_0 = arith.muli %arg1, %mul3A : i32
    %add3A = arith.addi %mul3A_0, %arg0 : i32
    %mul3A_1 = arith.constant 632 : i32
    %mul3A_2 = arith.muli %arg1, %mul3A_1 : i32
    "tpu.region"() ({
      %run_scoped3A = tpu.sem_alloc : memref<!tpu.dma_semaphore, #tpu.memory_space<semaphore_mem>>
      %dma_start3A = arith.constant 0 : i32
      %dma_start3A_9 = tpu.memref_slice %arg8[%mul3A_2, %dma_start3A] : memref<10112x128xf32, #tpu.memory_space<vmem_shared>> -> memref<632x128xf32, #tpu.memory_space<vmem_shared>>
      %dma_start3A_10 = arith.constant 0 : i32
      %dma_start3A_11 = tpu.memref_slice %arg3[%mul3A_2, %dma_start3A_10] : memref<10112x128xf32, #tpu.memory_space<hbm>> -> memref<632x128xf32, #tpu.memory_space<hbm>>
      tpu.enqueue_dma source(%dma_start3A_11 : memref<632x128xf32, #tpu.memory_space<hbm>>) target(%dma_start3A_9 : memref<632x128xf32, #tpu.memory_space<vmem_shared>>) target_semaphore(%run_scoped3A : memref<!tpu.dma_semaphore, #tpu.memory_space<semaphore_mem>>)
      %dma_wait3A = arith.constant 0 : i32
      %dma_wait3A_12 = tpu.memref_slice %arg8[%mul3A_2, %dma_wait3A] : memref<10112x128xf32, #tpu.memory_space<vmem_shared>> -> memref<632x128xf32, #tpu.memory_space<vmem_shared>>
      %dma_wait3A_13 = arith.constant 0 : i32
      %dma_wait3A_14 = tpu.memref_slice %arg3[%mul3A_2, %dma_wait3A_13] : memref<10112x128xf32, #tpu.memory_space<hbm>> -> memref<632x128xf32, #tpu.memory_space<hbm>>
      tpu.wait_dma2 semaphore(%run_scoped3A : memref<!tpu.dma_semaphore, #tpu.memory_space<semaphore_mem>>) src(%dma_wait3A_14 : memref<632x128xf32, #tpu.memory_space<hbm>>) dst(%dma_wait3A_12 : memref<632x128xf32, #tpu.memory_space<vmem_shared>>)
      tpu.yield
    }) : () -> ()
    "tpu.region"() ({
      %run_scoped3A = tpu.sem_alloc : memref<!tpu.dma_semaphore, #tpu.memory_space<semaphore_mem>>
      tpu.enqueue_dma source(%arg4 : memref<128x128xf32, #tpu.memory_space<hbm>>) target(%arg7 : memref<128x128xf32, #tpu.memory_space<vmem>>) target_semaphore(%run_scoped3A : memref<!tpu.dma_semaphore, #tpu.memory_space<semaphore_mem>>)
      tpu.wait_dma2 semaphore(%run_scoped3A : memref<!tpu.dma_semaphore, #tpu.memory_space<semaphore_mem>>) src(%arg4 : memref<128x128xf32, #tpu.memory_space<hbm>>) dst(%arg7 : memref<128x128xf32, #tpu.memory_space<vmem>>)
      tpu.yield
    }) : () -> ()
    %barrier3A = arith.constant 0 : index
    tpu.barrier barrier_id(%barrier3A)
    %scan3A = arith.constant 0 : i32
    %scan3A_3 = arith.constant 0 : i32
    %scan3A_4 = arith.constant 80 : i32
    %scan3A_5 = arith.addi %scan3A_3, %scan3A_4 : i32
    %scan3A_6 = arith.constant 1 : i32
    scf.for %scan3A_9 = %scan3A_3 to %scan3A_5 step %scan3A_6  : i32 {
      %mul3A_10 = arith.constant 10240 : i32
      %mul3A_11 = arith.muli %add3A, %mul3A_10 : i32
      %mul3A_12 = arith.constant 128 : i32
      %mul3A_13 = arith.muli %scan3A_9, %mul3A_12 : i32
      %add3A_14 = arith.addi %mul3A_11, %mul3A_13 : i32
      "tpu.region"() ({
        %run_scoped3A = tpu.sem_alloc : memref<!tpu.dma_semaphore, #tpu.memory_space<semaphore_mem>>
        %dma_start3A = tpu.memref_slice %arg2[%add3A_14] : memref<327680xi32, #tpu.memory_space<hbm>> -> memref<128xi32, #tpu.memory_space<hbm>>
        %dma_start3A_15 = tpu.memref_slice %arg2[%add3A_14] : memref<327680xi32, #tpu.memory_space<hbm>> -> memref<128xi32, #tpu.memory_space<hbm>>
        tpu.enqueue_dma source(%dma_start3A_15 : memref<128xi32, #tpu.memory_space<hbm>>) target(%arg6 : memref<128xi32, #tpu.memory_space<vmem>>) target_semaphore(%run_scoped3A : memref<!tpu.dma_semaphore, #tpu.memory_space<semaphore_mem>>)
        %dma_wait3A = tpu.memref_slice %arg2[%add3A_14] : memref<327680xi32, #tpu.memory_space<hbm>> -> memref<128xi32, #tpu.memory_space<hbm>>
        %dma_wait3A_16 = tpu.memref_slice %arg2[%add3A_14] : memref<327680xi32, #tpu.memory_space<hbm>> -> memref<128xi32, #tpu.memory_space<hbm>>
        tpu.wait_dma2 semaphore(%run_scoped3A : memref<!tpu.dma_semaphore, #tpu.memory_space<semaphore_mem>>) src(%dma_wait3A_16 : memref<128xi32, #tpu.memory_space<hbm>>) dst(%arg6 : memref<128xi32, #tpu.memory_space<vmem>>)
        tpu.yield
      }) : () -> ()
      "tpu.region"() ({
        %run_scoped3A = tpu.sem_alloc : memref<!tpu.dma_semaphore, #tpu.memory_space<semaphore_mem>>
        %dma_start3A = arith.constant 0 : i32
        %dma_start3A_15 = arith.constant 0 : i32
        %dma_start3A_16 = tpu.memref_slice %arg8[%dma_start3A, %dma_start3A_15] : memref<10112x128xf32, #tpu.memory_space<vmem_shared>> -> memref<10112x128xf32, #tpu.memory_space<vmem_shared>>
        tpu.enqueue_indirect_dma source(%arg7 : memref<128x128xf32, #tpu.memory_space<vmem>>) target(%dma_start3A_16 : memref<10112x128xf32, #tpu.memory_space<vmem_shared>>) offsets(%arg6 : memref<128xi32, #tpu.memory_space<vmem>>) semaphore(%run_scoped3A : memref<!tpu.dma_semaphore, #tpu.memory_space<semaphore_mem>>) {add = true}
        %dma_wait3A = arith.constant 0 : i32
        %dma_wait3A_17 = arith.constant 0 : i32
        %dma_wait3A_18 = tpu.memref_slice %arg8[%dma_wait3A, %dma_wait3A_17] : memref<10112x128xf32, #tpu.memory_space<vmem_shared>> -> memref<10112x128xf32, #tpu.memory_space<vmem_shared>>
        tpu.wait_indirect_dma semaphore(%run_scoped3A : memref<!tpu.dma_semaphore, #tpu.memory_space<semaphore_mem>>) src(%arg7 : memref<128x128xf32, #tpu.memory_space<vmem>>) dst(%dma_wait3A_18 : memref<10112x128xf32, #tpu.memory_space<vmem_shared>>)
        tpu.yield
      }) : () -> ()
    }
    %scan3A_7 = arith.constant 80 : i32
    %barrier3A_8 = arith.constant 0 : index
    tpu.barrier barrier_id(%barrier3A_8)
    "tpu.region"() ({
      %run_scoped3A = tpu.sem_alloc : memref<!tpu.dma_semaphore, #tpu.memory_space<semaphore_mem>>
      %dma_start3A = arith.constant 0 : i32
      %dma_start3A_9 = tpu.memref_slice %arg5[%arg0, %mul3A_2, %dma_start3A] : memref<2x10112x128xf32, #tpu.memory_space<hbm>> -> memref<1x632x128xf32, #tpu.memory_space<hbm>>
      %dma_start3A_10 = tpu.memref_squeeze %dma_start3A_9 : memref<1x632x128xf32, #tpu.memory_space<hbm>> -> memref<632x128xf32, #tpu.memory_space<hbm>>
      %dma_start3A_11 = arith.constant 0 : i32
      %dma_start3A_12 = tpu.memref_slice %arg8[%mul3A_2, %dma_start3A_11] : memref<10112x128xf32, #tpu.memory_space<vmem_shared>> -> memref<632x128xf32, #tpu.memory_space<vmem_shared>>
      tpu.enqueue_dma source(%dma_start3A_12 : memref<632x128xf32, #tpu.memory_space<vmem_shared>>) target(%dma_start3A_10 : memref<632x128xf32, #tpu.memory_space<hbm>>) target_semaphore(%run_scoped3A : memref<!tpu.dma_semaphore, #tpu.memory_space<semaphore_mem>>)
      %dma_wait3A = arith.constant 0 : i32
      %dma_wait3A_13 = tpu.memref_slice %arg5[%arg0, %mul3A_2, %dma_wait3A] : memref<2x10112x128xf32, #tpu.memory_space<hbm>> -> memref<1x632x128xf32, #tpu.memory_space<hbm>>
      %dma_wait3A_14 = tpu.memref_squeeze %dma_wait3A_13 : memref<1x632x128xf32, #tpu.memory_space<hbm>> -> memref<632x128xf32, #tpu.memory_space<hbm>>
      %dma_wait3A_15 = arith.constant 0 : i32
      %dma_wait3A_16 = tpu.memref_slice %arg8[%mul3A_2, %dma_wait3A_15] : memref<10112x128xf32, #tpu.memory_space<vmem_shared>> -> memref<632x128xf32, #tpu.memory_space<vmem_shared>>
      tpu.wait_dma2 semaphore(%run_scoped3A : memref<!tpu.dma_semaphore, #tpu.memory_space<semaphore_mem>>) src(%dma_wait3A_16 : memref<632x128xf32, #tpu.memory_space<vmem_shared>>) dst(%dma_wait3A_14 : memref<632x128xf32, #tpu.memory_space<hbm>>)
      tpu.yield
    }) : () -> ()
    return
  }
}

#map = affine_map<(d0, d1) -> (0, 0)>
#map1 = affine_map<(d0, d1) -> (0)>
#map2 = affine_map<(d0, d1) -> (0, 0, 0)>
module attributes {stable_mosaic.version = 14 : i64} {
  func.func @_sc_agg_body(%arg0: i32, %arg1: i32, %arg2: memref<10112x128xf32, #tpu.memory_space<hbm>>, %arg3: memref<327680xi32, #tpu.memory_space<hbm>>, %arg4: memref<327680xi32, #tpu.memory_space<hbm>>, %arg5: memref<10112x128xf32, #tpu.memory_space<hbm>>, %arg6: memref<2x10112x128xf32, #tpu.memory_space<hbm>>, %arg7: memref<128xi32, #tpu.memory_space<vmem>>, %arg8: memref<128xi32, #tpu.memory_space<vmem>>, %arg9: memref<128xi32, #tpu.memory_space<vmem>>, %arg10: memref<128xi32, #tpu.memory_space<vmem>>, %arg11: memref<128x128xf32, #tpu.memory_space<vmem>>, %arg12: memref<128x128xf32, #tpu.memory_space<vmem>>, %arg13: memref<!tpu.dma_semaphore, #tpu.memory_space<semaphore_mem>>, %arg14: memref<!tpu.dma_semaphore, #tpu.memory_space<semaphore_mem>>, %arg15: memref<10112x128xf32, #tpu.memory_space<vmem_shared>>) attributes {dimension_semantics = [#tpu.dimension_semantics<core_parallel>, #tpu.dimension_semantics<subcore_parallel>], iteration_bounds = array<i64: 2, 16>, scalar_prefetch = 0 : i64, scratch_operands = 9 : i64, tpu.core_type = #tpu.core_type<sc_vector_subcore>, window_params = [{transform_indices = #map}, {transform_indices = #map1}, {transform_indices = #map1}, {transform_indices = #map}, {transform_indices = #map2}]} {
    %mul3A = arith.constant 2 : i32
    %mul3A_0 = arith.muli %arg1, %mul3A : i32
    %add3A = arith.addi %mul3A_0, %arg0 : i32
    %mul3A_1 = arith.constant 632 : i32
    %mul3A_2 = arith.muli %arg1, %mul3A_1 : i32
    "tpu.region"() ({
      %run_scoped3A = tpu.sem_alloc : memref<!tpu.dma_semaphore, #tpu.memory_space<semaphore_mem>>
      %dma_start3A = arith.constant 0 : i32
      %dma_start3A_9 = tpu.memref_slice %arg15[%mul3A_2, %dma_start3A] : memref<10112x128xf32, #tpu.memory_space<vmem_shared>> -> memref<632x128xf32, #tpu.memory_space<vmem_shared>>
      %dma_start3A_10 = arith.constant 0 : i32
      %dma_start3A_11 = tpu.memref_slice %arg5[%mul3A_2, %dma_start3A_10] : memref<10112x128xf32, #tpu.memory_space<hbm>> -> memref<632x128xf32, #tpu.memory_space<hbm>>
      tpu.enqueue_dma source(%dma_start3A_11 : memref<632x128xf32, #tpu.memory_space<hbm>>) target(%dma_start3A_9 : memref<632x128xf32, #tpu.memory_space<vmem_shared>>) target_semaphore(%run_scoped3A : memref<!tpu.dma_semaphore, #tpu.memory_space<semaphore_mem>>)
      %dma_wait3A = arith.constant 0 : i32
      %dma_wait3A_12 = tpu.memref_slice %arg15[%mul3A_2, %dma_wait3A] : memref<10112x128xf32, #tpu.memory_space<vmem_shared>> -> memref<632x128xf32, #tpu.memory_space<vmem_shared>>
      %dma_wait3A_13 = arith.constant 0 : i32
      %dma_wait3A_14 = tpu.memref_slice %arg5[%mul3A_2, %dma_wait3A_13] : memref<10112x128xf32, #tpu.memory_space<hbm>> -> memref<632x128xf32, #tpu.memory_space<hbm>>
      tpu.wait_dma2 semaphore(%run_scoped3A : memref<!tpu.dma_semaphore, #tpu.memory_space<semaphore_mem>>) src(%dma_wait3A_14 : memref<632x128xf32, #tpu.memory_space<hbm>>) dst(%dma_wait3A_12 : memref<632x128xf32, #tpu.memory_space<vmem_shared>>)
      tpu.yield
    }) : () -> ()
    %barrier3A = arith.constant 0 : index
    tpu.barrier barrier_id(%barrier3A)
    %scan3A = arith.constant 0 : i32
    %scan3A_3 = arith.constant 0 : i32
    %scan3A_4 = arith.constant 40 : i32
    %scan3A_5 = arith.addi %scan3A_3, %scan3A_4 : i32
    %scan3A_6 = arith.constant 1 : i32
    scf.for %scan3A_9 = %scan3A_3 to %scan3A_5 step %scan3A_6  : i32 {
      %mul3A_10 = arith.constant 10240 : i32
      %mul3A_11 = arith.muli %add3A, %mul3A_10 : i32
      %mul3A_12 = arith.constant 256 : i32
      %mul3A_13 = arith.muli %scan3A_9, %mul3A_12 : i32
      %add3A_14 = arith.addi %mul3A_11, %mul3A_13 : i32
      "tpu.region"() ({
        %run_scoped3A = tpu.sem_alloc : memref<!tpu.dma_semaphore, #tpu.memory_space<semaphore_mem>>
        %dma_start3A_29 = tpu.memref_slice %arg3[%add3A_14] : memref<327680xi32, #tpu.memory_space<hbm>> -> memref<128xi32, #tpu.memory_space<hbm>>
        %dma_start3A_30 = tpu.memref_slice %arg3[%add3A_14] : memref<327680xi32, #tpu.memory_space<hbm>> -> memref<128xi32, #tpu.memory_space<hbm>>
        tpu.enqueue_dma source(%dma_start3A_30 : memref<128xi32, #tpu.memory_space<hbm>>) target(%arg7 : memref<128xi32, #tpu.memory_space<vmem>>) target_semaphore(%run_scoped3A : memref<!tpu.dma_semaphore, #tpu.memory_space<semaphore_mem>>)
        %dma_wait3A_31 = tpu.memref_slice %arg3[%add3A_14] : memref<327680xi32, #tpu.memory_space<hbm>> -> memref<128xi32, #tpu.memory_space<hbm>>
        %dma_wait3A_32 = tpu.memref_slice %arg3[%add3A_14] : memref<327680xi32, #tpu.memory_space<hbm>> -> memref<128xi32, #tpu.memory_space<hbm>>
        tpu.wait_dma2 semaphore(%run_scoped3A : memref<!tpu.dma_semaphore, #tpu.memory_space<semaphore_mem>>) src(%dma_wait3A_32 : memref<128xi32, #tpu.memory_space<hbm>>) dst(%arg7 : memref<128xi32, #tpu.memory_space<vmem>>)
        tpu.yield
      }) : () -> ()
      %add3A_15 = arith.constant 128 : i32
      %add3A_16 = arith.addi %add3A_14, %add3A_15 : i32
      "tpu.region"() ({
        %run_scoped3A = tpu.sem_alloc : memref<!tpu.dma_semaphore, #tpu.memory_space<semaphore_mem>>
        %dma_start3A_29 = tpu.memref_slice %arg3[%add3A_16] : memref<327680xi32, #tpu.memory_space<hbm>> -> memref<128xi32, #tpu.memory_space<hbm>>
        %dma_start3A_30 = tpu.memref_slice %arg3[%add3A_16] : memref<327680xi32, #tpu.memory_space<hbm>> -> memref<128xi32, #tpu.memory_space<hbm>>
        tpu.enqueue_dma source(%dma_start3A_30 : memref<128xi32, #tpu.memory_space<hbm>>) target(%arg8 : memref<128xi32, #tpu.memory_space<vmem>>) target_semaphore(%run_scoped3A : memref<!tpu.dma_semaphore, #tpu.memory_space<semaphore_mem>>)
        %dma_wait3A_31 = tpu.memref_slice %arg3[%add3A_16] : memref<327680xi32, #tpu.memory_space<hbm>> -> memref<128xi32, #tpu.memory_space<hbm>>
        %dma_wait3A_32 = tpu.memref_slice %arg3[%add3A_16] : memref<327680xi32, #tpu.memory_space<hbm>> -> memref<128xi32, #tpu.memory_space<hbm>>
        tpu.wait_dma2 semaphore(%run_scoped3A : memref<!tpu.dma_semaphore, #tpu.memory_space<semaphore_mem>>) src(%dma_wait3A_32 : memref<128xi32, #tpu.memory_space<hbm>>) dst(%arg8 : memref<128xi32, #tpu.memory_space<vmem>>)
        tpu.yield
      }) : () -> ()
      "tpu.region"() ({
        %run_scoped3A = tpu.sem_alloc : memref<!tpu.dma_semaphore, #tpu.memory_space<semaphore_mem>>
        %dma_start3A_29 = tpu.memref_slice %arg4[%add3A_14] : memref<327680xi32, #tpu.memory_space<hbm>> -> memref<128xi32, #tpu.memory_space<hbm>>
        %dma_start3A_30 = tpu.memref_slice %arg4[%add3A_14] : memref<327680xi32, #tpu.memory_space<hbm>> -> memref<128xi32, #tpu.memory_space<hbm>>
        tpu.enqueue_dma source(%dma_start3A_30 : memref<128xi32, #tpu.memory_space<hbm>>) target(%arg9 : memref<128xi32, #tpu.memory_space<vmem>>) target_semaphore(%run_scoped3A : memref<!tpu.dma_semaphore, #tpu.memory_space<semaphore_mem>>)
        %dma_wait3A_31 = tpu.memref_slice %arg4[%add3A_14] : memref<327680xi32, #tpu.memory_space<hbm>> -> memref<128xi32, #tpu.memory_space<hbm>>
        %dma_wait3A_32 = tpu.memref_slice %arg4[%add3A_14] : memref<327680xi32, #tpu.memory_space<hbm>> -> memref<128xi32, #tpu.memory_space<hbm>>
        tpu.wait_dma2 semaphore(%run_scoped3A : memref<!tpu.dma_semaphore, #tpu.memory_space<semaphore_mem>>) src(%dma_wait3A_32 : memref<128xi32, #tpu.memory_space<hbm>>) dst(%arg9 : memref<128xi32, #tpu.memory_space<vmem>>)
        tpu.yield
      }) : () -> ()
      %add3A_17 = arith.constant 128 : i32
      %add3A_18 = arith.addi %add3A_14, %add3A_17 : i32
      "tpu.region"() ({
        %run_scoped3A = tpu.sem_alloc : memref<!tpu.dma_semaphore, #tpu.memory_space<semaphore_mem>>
        %dma_start3A_29 = tpu.memref_slice %arg4[%add3A_18] : memref<327680xi32, #tpu.memory_space<hbm>> -> memref<128xi32, #tpu.memory_space<hbm>>
        %dma_start3A_30 = tpu.memref_slice %arg4[%add3A_18] : memref<327680xi32, #tpu.memory_space<hbm>> -> memref<128xi32, #tpu.memory_space<hbm>>
        tpu.enqueue_dma source(%dma_start3A_30 : memref<128xi32, #tpu.memory_space<hbm>>) target(%arg10 : memref<128xi32, #tpu.memory_space<vmem>>) target_semaphore(%run_scoped3A : memref<!tpu.dma_semaphore, #tpu.memory_space<semaphore_mem>>)
        %dma_wait3A_31 = tpu.memref_slice %arg4[%add3A_18] : memref<327680xi32, #tpu.memory_space<hbm>> -> memref<128xi32, #tpu.memory_space<hbm>>
        %dma_wait3A_32 = tpu.memref_slice %arg4[%add3A_18] : memref<327680xi32, #tpu.memory_space<hbm>> -> memref<128xi32, #tpu.memory_space<hbm>>
        tpu.wait_dma2 semaphore(%run_scoped3A : memref<!tpu.dma_semaphore, #tpu.memory_space<semaphore_mem>>) src(%dma_wait3A_32 : memref<128xi32, #tpu.memory_space<hbm>>) dst(%arg10 : memref<128xi32, #tpu.memory_space<vmem>>)
        tpu.yield
      }) : () -> ()
      %dma_start3A = arith.constant 0 : i32
      %dma_start3A_19 = arith.constant 0 : i32
      %dma_start3A_20 = tpu.memref_slice %arg2[%dma_start3A, %dma_start3A_19] : memref<10112x128xf32, #tpu.memory_space<hbm>> -> memref<10112x128xf32, #tpu.memory_space<hbm>>
      tpu.enqueue_indirect_dma source(%dma_start3A_20 : memref<10112x128xf32, #tpu.memory_space<hbm>>) target(%arg11 : memref<128x128xf32, #tpu.memory_space<vmem>>) offsets(%arg7 : memref<128xi32, #tpu.memory_space<vmem>>) semaphore(%arg13 : memref<!tpu.dma_semaphore, #tpu.memory_space<semaphore_mem>>)
      %dma_start3A_21 = arith.constant 0 : i32
      %dma_start3A_22 = arith.constant 0 : i32
      %dma_start3A_23 = tpu.memref_slice %arg2[%dma_start3A_21, %dma_start3A_22] : memref<10112x128xf32, #tpu.memory_space<hbm>> -> memref<10112x128xf32, #tpu.memory_space<hbm>>
      tpu.enqueue_indirect_dma source(%dma_start3A_23 : memref<10112x128xf32, #tpu.memory_space<hbm>>) target(%arg12 : memref<128x128xf32, #tpu.memory_space<vmem>>) offsets(%arg8 : memref<128xi32, #tpu.memory_space<vmem>>) semaphore(%arg14 : memref<!tpu.dma_semaphore, #tpu.memory_space<semaphore_mem>>)
      %dma_wait3A = arith.constant 0 : i32
      %dma_wait3A_24 = arith.constant 0 : i32
      %dma_wait3A_25 = tpu.memref_slice %arg2[%dma_wait3A, %dma_wait3A_24] : memref<10112x128xf32, #tpu.memory_space<hbm>> -> memref<10112x128xf32, #tpu.memory_space<hbm>>
      tpu.wait_indirect_dma semaphore(%arg13 : memref<!tpu.dma_semaphore, #tpu.memory_space<semaphore_mem>>) src(%dma_wait3A_25 : memref<10112x128xf32, #tpu.memory_space<hbm>>) dst(%arg11 : memref<128x128xf32, #tpu.memory_space<vmem>>)
      "tpu.region"() ({
        %run_scoped3A = tpu.sem_alloc : memref<!tpu.dma_semaphore, #tpu.memory_space<semaphore_mem>>
        %dma_start3A_29 = arith.constant 0 : i32
        %dma_start3A_30 = arith.constant 0 : i32
        %dma_start3A_31 = tpu.memref_slice %arg15[%dma_start3A_29, %dma_start3A_30] : memref<10112x128xf32, #tpu.memory_space<vmem_shared>> -> memref<10112x128xf32, #tpu.memory_space<vmem_shared>>
        tpu.enqueue_indirect_dma source(%arg11 : memref<128x128xf32, #tpu.memory_space<vmem>>) target(%dma_start3A_31 : memref<10112x128xf32, #tpu.memory_space<vmem_shared>>) offsets(%arg9 : memref<128xi32, #tpu.memory_space<vmem>>) semaphore(%run_scoped3A : memref<!tpu.dma_semaphore, #tpu.memory_space<semaphore_mem>>) {add = true}
        %dma_wait3A_32 = arith.constant 0 : i32
        %dma_wait3A_33 = arith.constant 0 : i32
        %dma_wait3A_34 = tpu.memref_slice %arg15[%dma_wait3A_32, %dma_wait3A_33] : memref<10112x128xf32, #tpu.memory_space<vmem_shared>> -> memref<10112x128xf32, #tpu.memory_space<vmem_shared>>
        tpu.wait_indirect_dma semaphore(%run_scoped3A : memref<!tpu.dma_semaphore, #tpu.memory_space<semaphore_mem>>) src(%arg11 : memref<128x128xf32, #tpu.memory_space<vmem>>) dst(%dma_wait3A_34 : memref<10112x128xf32, #tpu.memory_space<vmem_shared>>)
        tpu.yield
      }) : () -> ()
      %dma_wait3A_26 = arith.constant 0 : i32
      %dma_wait3A_27 = arith.constant 0 : i32
      %dma_wait3A_28 = tpu.memref_slice %arg2[%dma_wait3A_26, %dma_wait3A_27] : memref<10112x128xf32, #tpu.memory_space<hbm>> -> memref<10112x128xf32, #tpu.memory_space<hbm>>
      tpu.wait_indirect_dma semaphore(%arg14 : memref<!tpu.dma_semaphore, #tpu.memory_space<semaphore_mem>>) src(%dma_wait3A_28 : memref<10112x128xf32, #tpu.memory_space<hbm>>) dst(%arg12 : memref<128x128xf32, #tpu.memory_space<vmem>>)
      "tpu.region"() ({
        %run_scoped3A = tpu.sem_alloc : memref<!tpu.dma_semaphore, #tpu.memory_space<semaphore_mem>>
        %dma_start3A_29 = arith.constant 0 : i32
        %dma_start3A_30 = arith.constant 0 : i32
        %dma_start3A_31 = tpu.memref_slice %arg15[%dma_start3A_29, %dma_start3A_30] : memref<10112x128xf32, #tpu.memory_space<vmem_shared>> -> memref<10112x128xf32, #tpu.memory_space<vmem_shared>>
        tpu.enqueue_indirect_dma source(%arg12 : memref<128x128xf32, #tpu.memory_space<vmem>>) target(%dma_start3A_31 : memref<10112x128xf32, #tpu.memory_space<vmem_shared>>) offsets(%arg10 : memref<128xi32, #tpu.memory_space<vmem>>) semaphore(%run_scoped3A : memref<!tpu.dma_semaphore, #tpu.memory_space<semaphore_mem>>) {add = true}
        %dma_wait3A_32 = arith.constant 0 : i32
        %dma_wait3A_33 = arith.constant 0 : i32
        %dma_wait3A_34 = tpu.memref_slice %arg15[%dma_wait3A_32, %dma_wait3A_33] : memref<10112x128xf32, #tpu.memory_space<vmem_shared>> -> memref<10112x128xf32, #tpu.memory_space<vmem_shared>>
        tpu.wait_indirect_dma semaphore(%run_scoped3A : memref<!tpu.dma_semaphore, #tpu.memory_space<semaphore_mem>>) src(%arg12 : memref<128x128xf32, #tpu.memory_space<vmem>>) dst(%dma_wait3A_34 : memref<10112x128xf32, #tpu.memory_space<vmem_shared>>)
        tpu.yield
      }) : () -> ()
    }
    %scan3A_7 = arith.constant 40 : i32
    %barrier3A_8 = arith.constant 0 : index
    tpu.barrier barrier_id(%barrier3A_8)
    "tpu.region"() ({
      %run_scoped3A = tpu.sem_alloc : memref<!tpu.dma_semaphore, #tpu.memory_space<semaphore_mem>>
      %dma_start3A = arith.constant 0 : i32
      %dma_start3A_9 = tpu.memref_slice %arg6[%arg0, %mul3A_2, %dma_start3A] : memref<2x10112x128xf32, #tpu.memory_space<hbm>> -> memref<1x632x128xf32, #tpu.memory_space<hbm>>
      %dma_start3A_10 = tpu.memref_squeeze %dma_start3A_9 : memref<1x632x128xf32, #tpu.memory_space<hbm>> -> memref<632x128xf32, #tpu.memory_space<hbm>>
      %dma_start3A_11 = arith.constant 0 : i32
      %dma_start3A_12 = tpu.memref_slice %arg15[%mul3A_2, %dma_start3A_11] : memref<10112x128xf32, #tpu.memory_space<vmem_shared>> -> memref<632x128xf32, #tpu.memory_space<vmem_shared>>
      tpu.enqueue_dma source(%dma_start3A_12 : memref<632x128xf32, #tpu.memory_space<vmem_shared>>) target(%dma_start3A_10 : memref<632x128xf32, #tpu.memory_space<hbm>>) target_semaphore(%run_scoped3A : memref<!tpu.dma_semaphore, #tpu.memory_space<semaphore_mem>>)
      %dma_wait3A = arith.constant 0 : i32
      %dma_wait3A_13 = tpu.memref_slice %arg6[%arg0, %mul3A_2, %dma_wait3A] : memref<2x10112x128xf32, #tpu.memory_space<hbm>> -> memref<1x632x128xf32, #tpu.memory_space<hbm>>
      %dma_wait3A_14 = tpu.memref_squeeze %dma_wait3A_13 : memref<1x632x128xf32, #tpu.memory_space<hbm>> -> memref<632x128xf32, #tpu.memory_space<hbm>>
      %dma_wait3A_15 = arith.constant 0 : i32
      %dma_wait3A_16 = tpu.memref_slice %arg15[%mul3A_2, %dma_wait3A_15] : memref<10112x128xf32, #tpu.memory_space<vmem_shared>> -> memref<632x128xf32, #tpu.memory_space<vmem_shared>>
      tpu.wait_dma2 semaphore(%run_scoped3A : memref<!tpu.dma_semaphore, #tpu.memory_space<semaphore_mem>>) src(%dma_wait3A_16 : memref<632x128xf32, #tpu.memory_space<vmem_shared>>) dst(%dma_wait3A_14 : memref<632x128xf32, #tpu.memory_space<hbm>>)
      tpu.yield
    }) : () -> ()
    return
  }
}

module attributes {stable_mosaic.version = 14 : i64} {
  func.func @_tc_a_body(%arg0: memref<10112x128xf32, #tpu.memory_space<vmem>>, %arg1: memref<128x32xf32, #tpu.memory_space<vmem>>, %arg2: memref<2x10112x128xf32, #tpu.memory_space<vmem>>, %arg3: memref<10112x128xf32, #tpu.memory_space<vmem>>) attributes {dimension_semantics = [], scalar_prefetch = 0 : i64, scratch_operands = 0 : i64, tpu.core_type = #tpu.core_type<tc>} {
    %get3A = arith.constant 0 : index
    %get3A_0 = arith.constant 0 : index
    %get3A_1 = arith.constant 0 : index
    %get3A_2 = vector.load %arg2[%get3A, %get3A_0, %get3A_1] : memref<2x10112x128xf32, #tpu.memory_space<vmem>>, vector<1x10112x1xf32>
    %get3A_3 = vector.shape_cast %get3A_2 : vector<1x10112x1xf32> to vector<10112x1xf32>
    %get3A_4 = arith.constant 1 : index
    %get3A_5 = arith.constant 0 : index
    %get3A_6 = arith.constant 0 : index
    %get3A_7 = vector.load %arg2[%get3A_4, %get3A_5, %get3A_6] : memref<2x10112x128xf32, #tpu.memory_space<vmem>>, vector<1x10112x1xf32>
    %get3A_8 = vector.shape_cast %get3A_7 : vector<1x10112x1xf32> to vector<10112x1xf32>
    %add3A = arith.addf %get3A_3, %get3A_8 : vector<10112x1xf32>
    %add3A_9 = arith.constant 1.000000e+00 : f32
    %add3A_10 = vector.broadcast %add3A_9 : f32 to vector<10112x1xf32>
    %add3A_11 = arith.addf %add3A, %add3A_10 : vector<10112x1xf32>
    %rsqrt3A = math.rsqrt %add3A_11 : vector<10112x1xf32>
    %get3A_12 = arith.constant 0 : index
    %get3A_13 = arith.constant 0 : index
    %get3A_14 = vector.load %arg0[%get3A_12, %get3A_13] : memref<10112x128xf32, #tpu.memory_space<vmem>>, vector<10112x128xf32>
    %get3A_15 = arith.constant 0 : index
    %get3A_16 = arith.constant 0 : index
    %get3A_17 = vector.load %arg1[%get3A_15, %get3A_16] : memref<128x32xf32, #tpu.memory_space<vmem>>, vector<128x32xf32>
    %dot_general3A = arith.constant dense<0.000000e+00> : vector<10112x32xf32>
    %dot_general3A_18 = tpu.matmul %get3A_14, %get3A_17, %dot_general3A {dimension_numbers = #tpu.dot_dimension_numbers<[1], [0], [0], [1], [0, 0, 1, 1], [], []>, transpose_lhs_hint = false} : vector<10112x128xf32>, vector<128x32xf32>, vector<10112x32xf32> -> vector<10112x32xf32>
    %mul3A = vector.broadcast %rsqrt3A : vector<10112x1xf32> to vector<10112x32xf32>
    %mul3A_19 = arith.mulf %dot_general3A_18, %mul3A : vector<10112x32xf32>
    %broadcast_in_dim3A = arith.constant 0.000000e+00 : f32
    %broadcast_in_dim3A_20 = vector.broadcast %broadcast_in_dim3A : f32 to vector<10112x96xf32>
    %concatenate3A = tpu.concatenate %mul3A_19, %broadcast_in_dim3A_20 in 1 : vector<10112x32xf32>, vector<10112x96xf32> -> vector<10112x128xf32>
    %swap3A = arith.constant 0 : index
    %swap3A_21 = arith.constant 0 : index
    %swap3A_22 = vector.load %arg3[%swap3A, %swap3A_21] : memref<10112x128xf32, #tpu.memory_space<vmem>>, vector<10112x128xf32>
    tpu.vector_store %arg3[%swap3A, %swap3A_21], %concatenate3A {strides = array<i32>} : memref<10112x128xf32, #tpu.memory_space<vmem>>, vector<10112x128xf32>,
    return
  }
}

module attributes {stable_mosaic.version = 14 : i64} {
  func.func @_tc_b_body(%arg0: memref<2x10112x128xf32, #tpu.memory_space<vmem>>, %arg1: memref<10112x128xf32, #tpu.memory_space<vmem>>, %arg2: memref<2x10112x128xf32, #tpu.memory_space<vmem>>, %arg3: memref<32xf32, #tpu.memory_space<vmem>>, %arg4: memref<32x16xf32, #tpu.memory_space<vmem>>, %arg5: memref<10112x128xf32, #tpu.memory_space<vmem>>) attributes {dimension_semantics = [], scalar_prefetch = 0 : i64, scratch_operands = 0 : i64, tpu.core_type = #tpu.core_type<tc>} {
    %get3A = arith.constant 0 : index
    %get3A_0 = arith.constant 0 : index
    %get3A_1 = arith.constant 0 : index
    %get3A_2 = vector.load %arg2[%get3A, %get3A_0, %get3A_1] : memref<2x10112x128xf32, #tpu.memory_space<vmem>>, vector<1x10112x1xf32>
    %get3A_3 = vector.shape_cast %get3A_2 : vector<1x10112x1xf32> to vector<10112x1xf32>
    %get3A_4 = arith.constant 1 : index
    %get3A_5 = arith.constant 0 : index
    %get3A_6 = arith.constant 0 : index
    %get3A_7 = vector.load %arg2[%get3A_4, %get3A_5, %get3A_6] : memref<2x10112x128xf32, #tpu.memory_space<vmem>>, vector<1x10112x1xf32>
    %get3A_8 = vector.shape_cast %get3A_7 : vector<1x10112x1xf32> to vector<10112x1xf32>
    %add3A = arith.addf %get3A_3, %get3A_8 : vector<10112x1xf32>
    %add3A_9 = arith.constant 1.000000e+00 : f32
    %add3A_10 = vector.broadcast %add3A_9 : f32 to vector<10112x1xf32>
    %add3A_11 = arith.addf %add3A, %add3A_10 : vector<10112x1xf32>
    %rsqrt3A = math.rsqrt %add3A_11 : vector<10112x1xf32>
    %get3A_12 = arith.constant 0 : index
    %get3A_13 = arith.constant 0 : index
    %get3A_14 = arith.constant 0 : index
    %get3A_15 = vector.load %arg0[%get3A_12, %get3A_13, %get3A_14] : memref<2x10112x128xf32, #tpu.memory_space<vmem>>, vector<1x10112x128xf32>
    %get3A_16 = vector.shape_cast %get3A_15 : vector<1x10112x128xf32> to vector<10112x128xf32>
    %get3A_17 = arith.constant 1 : index
    %get3A_18 = arith.constant 0 : index
    %get3A_19 = arith.constant 0 : index
    %get3A_20 = vector.load %arg0[%get3A_17, %get3A_18, %get3A_19] : memref<2x10112x128xf32, #tpu.memory_space<vmem>>, vector<1x10112x128xf32>
    %get3A_21 = vector.shape_cast %get3A_20 : vector<1x10112x128xf32> to vector<10112x128xf32>
    %add3A_22 = arith.addf %get3A_16, %get3A_21 : vector<10112x128xf32>
    %get3A_23 = arith.constant 0 : index
    %get3A_24 = arith.constant 0 : index
    %get3A_25 = vector.load %arg1[%get3A_23, %get3A_24] : memref<10112x128xf32, #tpu.memory_space<vmem>>, vector<10112x128xf32>
    %add3A_26 = arith.addf %add3A_22, %get3A_25 : vector<10112x128xf32>
    %slice3A = vector.extract_strided_slice %add3A_26 {offsets = [0, 0], sizes = [10112, 32], strides = [1, 1]} : vector<10112x128xf32> to vector<10112x32xf32>
    %mul3A = vector.broadcast %rsqrt3A : vector<10112x1xf32> to vector<10112x32xf32>
    %mul3A_27 = arith.mulf %slice3A, %mul3A : vector<10112x32xf32>
    %get3A_28 = arith.constant 0 : index
    %get3A_29 = vector.load %arg3[%get3A_28] : memref<32xf32, #tpu.memory_space<vmem>>, vector<32xf32>
    %broadcast_in_dim3A = vector.shape_cast %get3A_29 : vector<32xf32> to vector<1x32xf32>
    %add3A_30 = vector.broadcast %broadcast_in_dim3A : vector<1x32xf32> to vector<10112x32xf32>
    %add3A_31 = arith.addf %mul3A_27, %add3A_30 : vector<10112x32xf32>
    %max3A = arith.constant 0.000000e+00 : f32
    %max3A_32 = vector.broadcast %max3A : f32 to vector<10112x32xf32>
    %max3A_33 = arith.maximumf %add3A_31, %max3A_32 : vector<10112x32xf32>
    %get3A_34 = arith.constant 0 : index
    %get3A_35 = arith.constant 0 : index
    %get3A_36 = vector.load %arg4[%get3A_34, %get3A_35] : memref<32x16xf32, #tpu.memory_space<vmem>>, vector<32x16xf32>
    %dot_general3A = arith.constant dense<0.000000e+00> : vector<10112x16xf32>
    %dot_general3A_37 = tpu.matmul %max3A_33, %get3A_36, %dot_general3A {dimension_numbers = #tpu.dot_dimension_numbers<[1], [0], [0], [1], [0, 0, 1, 1], [], []>, transpose_lhs_hint = false} : vector<10112x32xf32>, vector<32x16xf32>, vector<10112x16xf32> -> vector<10112x16xf32>
    %mul3A_38 = vector.broadcast %rsqrt3A : vector<10112x1xf32> to vector<10112x16xf32>
    %mul3A_39 = arith.mulf %dot_general3A_37, %mul3A_38 : vector<10112x16xf32>
    %broadcast_in_dim3A_40 = arith.constant 0.000000e+00 : f32
    %broadcast_in_dim3A_41 = vector.broadcast %broadcast_in_dim3A_40 : f32 to vector<10112x112xf32>
    %concatenate3A = tpu.concatenate %mul3A_39, %broadcast_in_dim3A_41 in 1 : vector<10112x16xf32>, vector<10112x112xf32> -> vector<10112x128xf32>
    %swap3A = arith.constant 0 : index
    %swap3A_42 = arith.constant 0 : index
    %swap3A_43 = vector.load %arg5[%swap3A, %swap3A_42] : memref<10112x128xf32, #tpu.memory_space<vmem>>, vector<10112x128xf32>
    tpu.vector_store %arg5[%swap3A, %swap3A_42], %concatenate3A {strides = array<i32>} : memref<10112x128xf32, #tpu.memory_space<vmem>>, vector<10112x128xf32>,
    return
  }
}

module attributes {stable_mosaic.version = 14 : i64} {
  func.func @_tc_c_body(%arg0: memref<2x10112x128xf32, #tpu.memory_space<vmem>>, %arg1: memref<10112x128xf32, #tpu.memory_space<vmem>>, %arg2: memref<2x10112x128xf32, #tpu.memory_space<vmem>>, %arg3: memref<16xf32, #tpu.memory_space<vmem>>, %arg4: memref<10112x16xf32, #tpu.memory_space<vmem>>) attributes {dimension_semantics = [], scalar_prefetch = 0 : i64, scratch_operands = 0 : i64, tpu.core_type = #tpu.core_type<tc>} {
    %get3A = arith.constant 0 : index
    %get3A_0 = arith.constant 0 : index
    %get3A_1 = arith.constant 0 : index
    %get3A_2 = vector.load %arg2[%get3A, %get3A_0, %get3A_1] : memref<2x10112x128xf32, #tpu.memory_space<vmem>>, vector<1x10112x1xf32>
    %get3A_3 = vector.shape_cast %get3A_2 : vector<1x10112x1xf32> to vector<10112x1xf32>
    %get3A_4 = arith.constant 1 : index
    %get3A_5 = arith.constant 0 : index
    %get3A_6 = arith.constant 0 : index
    %get3A_7 = vector.load %arg2[%get3A_4, %get3A_5, %get3A_6] : memref<2x10112x128xf32, #tpu.memory_space<vmem>>, vector<1x10112x1xf32>
    %get3A_8 = vector.shape_cast %get3A_7 : vector<1x10112x1xf32> to vector<10112x1xf32>
    %add3A = arith.addf %get3A_3, %get3A_8 : vector<10112x1xf32>
    %add3A_9 = arith.constant 1.000000e+00 : f32
    %add3A_10 = vector.broadcast %add3A_9 : f32 to vector<10112x1xf32>
    %add3A_11 = arith.addf %add3A, %add3A_10 : vector<10112x1xf32>
    %rsqrt3A = math.rsqrt %add3A_11 : vector<10112x1xf32>
    %get3A_12 = arith.constant 0 : index
    %get3A_13 = arith.constant 0 : index
    %get3A_14 = arith.constant 0 : index
    %get3A_15 = vector.load %arg0[%get3A_12, %get3A_13, %get3A_14] : memref<2x10112x128xf32, #tpu.memory_space<vmem>>, vector<1x10112x128xf32>
    %get3A_16 = vector.shape_cast %get3A_15 : vector<1x10112x128xf32> to vector<10112x128xf32>
    %get3A_17 = arith.constant 1 : index
    %get3A_18 = arith.constant 0 : index
    %get3A_19 = arith.constant 0 : index
    %get3A_20 = vector.load %arg0[%get3A_17, %get3A_18, %get3A_19] : memref<2x10112x128xf32, #tpu.memory_space<vmem>>, vector<1x10112x128xf32>
    %get3A_21 = vector.shape_cast %get3A_20 : vector<1x10112x128xf32> to vector<10112x128xf32>
    %add3A_22 = arith.addf %get3A_16, %get3A_21 : vector<10112x128xf32>
    %get3A_23 = arith.constant 0 : index
    %get3A_24 = arith.constant 0 : index
    %get3A_25 = vector.load %arg1[%get3A_23, %get3A_24] : memref<10112x128xf32, #tpu.memory_space<vmem>>, vector<10112x128xf32>
    %add3A_26 = arith.addf %add3A_22, %get3A_25 : vector<10112x128xf32>
    %slice3A = vector.extract_strided_slice %add3A_26 {offsets = [0, 0], sizes = [10112, 16], strides = [1, 1]} : vector<10112x128xf32> to vector<10112x16xf32>
    %mul3A = vector.broadcast %rsqrt3A : vector<10112x1xf32> to vector<10112x16xf32>
    %mul3A_27 = arith.mulf %slice3A, %mul3A : vector<10112x16xf32>
    %get3A_28 = arith.constant 0 : index
    %get3A_29 = vector.load %arg3[%get3A_28] : memref<16xf32, #tpu.memory_space<vmem>>, vector<16xf32>
    %broadcast_in_dim3A = vector.shape_cast %get3A_29 : vector<16xf32> to vector<1x16xf32>
    %add3A_30 = vector.broadcast %broadcast_in_dim3A : vector<1x16xf32> to vector<10112x16xf32>
    %add3A_31 = arith.addf %mul3A_27, %add3A_30 : vector<10112x16xf32>
    %swap3A = arith.constant 0 : index
    %swap3A_32 = arith.constant 0 : index
    %swap3A_33 = vector.load %arg4[%swap3A, %swap3A_32] : memref<10112x16xf32, #tpu.memory_space<vmem>>, vector<10112x16xf32>
    tpu.vector_store %arg4[%swap3A, %swap3A_32], %add3A_31 {strides = array<i32>} : memref<10112x16xf32, #tpu.memory_space<vmem>>, vector<10112x16xf32>,
    return
  }
}

</mosaic_0001>

<sc_bundles>
// kernel: kernel.11.cloned.1.call-start
scs
__scs_entry_jumppad:
0x0: {  	(pc) =	sbr.rel $0x88, $3  }
0x1: {  	(tag) =	ssettag $0x0;
	lr =	simm.s32 $0x1  }
0x2: {  	[smem:$0x3F9B] =	sst lr;
	_ =	strace $0xD0000000  }
0x3: {  	_ = 	snop  }
0x4: {  	_ = 	snop  }
0x5: {  	_ = 	snop  }
0x6: {  	_ = 	snop  }
0x7: {  	_ = 	snop  }
__scs_overlays_trampoline_lowered:
0x8: {  	[smem:$0x3FAA] =	sst s0  }
0x9: {  	[smem:$0x3FAB] =	sst s1  }
0xa: {  	[smem:$0x3FAC] =	sst s2  }
0xb: {  	[smem:$0x3FAD] =	sst s3  }
0xc: {  	[smem:$0x3FAE] =	sst s4  }
0xd: {  	[smem:$0x3FAF] =	sst s5  }
0xe: {  	[smem:$0x3FB0] =	sst s6  }
0xf: {  	[smem:$0x3FB1] =	sst s7  }
0x10: {  	[smem:$0x3FB2] =	sst s8  }
0x11: {  	[smem:$0x3FB3] =	sst s9;
	s0 =	simm.s32 @!p0 $0x0  }
0x12: {  	s1 =	sld [smem:$0x3F99];
	s0 =	simm.s32 @p0 $0x1  }
0x13: {  	[smem:$0x3FB4] =	sst s0;
	s0 =	simm.s32 @!p1 $0x0  }
0x14: {  	s2 =	sld [smem:$0x3F98];
	s0 =	simm.s32 @p1 $0x1  }
0x15: {  	[smem:$0x3FB5] =	sst s0;
	s0 =	simm.s32 @!p2 $0x0  }
0x16: {  	s3 =	sld [smem:$0x3FDB];
	s0 =	simm.s32 @p2 $0x1  }
0x17: {  	s4 =	simm.s32 $0x1BF5;
	[smem:$0x3FB7] =	sst s0  }
0x18: {  	s0 =	sld [smem:$0x3F9A];
	_ =	swait.ge [sflag:s4], $0x0  }
0x19: {  	s7 =	sld [smem:$0x3F9B]  }
0x1a: {  	s8 =	sadd.s32 $0xFFFFE003, lr  }
0x1b: {  	s9 =	sadd.s32 $0xFFFFFEF7, lr;
	s5 =	simm.s32 $0xFFFFFFFF;
	p2 =	slt.u32 s8, $0xFFFFF086  }
0x1c: {  	p1 =	slt.u32 s9, $0xF7A;
	s5 =	simm.s32 @!p2 $0x0  }
0x1d: {  	s5 =	simm.s32 @p1 $0x1;
	p0 =	seq.s32 s7, s2  }
0x1e: {  	s7 =	smul.u32 @!p0 $0xF7A, s2;
	p2 =	seq.s32 @!p0 s5, $0x0  }
0x1f: {  	s9 =	smul.u32 $0xF7A, s1;
	s8 =	simm.s32 @!p0 $0x1BF5;
	p2 =	por !p2, p0  }
0x20: {  	[sflag:s8] =	ssyncset.s32 @!p0 $0xFFFFF086;
	s6 =	sadd.s32 @!p0 s3, s7;
	s7 =	simm.s32 @!p0 $0x108  }
0x21: {  	s3 =	sadd.s32 s3, s9;
	s6 =	sadd.s32 @!p0 $0x88, s6;
	s7 =	simm.s32 @p2 $0x1082  }
0x22: {  	[simem:s7], [sflag:s8] =	dma.local @!p0 [hbm:s6], $0xF7A  }
0x23: {  	s9 =	sor.u32 $0xD0000000, s2;
	s6 =	simm.s32 $0x108;
	_ =	swait.ge @!p0 [sflag:s8], $0x0  }
0x24: {  	s3 =	sadd.s32 $0x88, s3;
	s6 =	simm.s32 @!p1 $0x1082;
	[sflag:s4] =	ssyncset.s32 $0xFFFFF086  }
0x25: {  	[simem:s6], [sflag:s4] =	dma.local [hbm:s3], $0xF7A  }
0x26: {  	[smem:$0x3F9B] =	sst s1;
	(tag) =	ssettag s2;
	_ =	strace s9  }
0x27: {  	s1 =	sld [smem:$0x3FAB]  }
0x28: {  	s2 =	sld [smem:$0x3FAC]  }
0x29: {  	s4 =	sld [smem:$0x3FAE]  }
0x2a: {  	p0 =	seq.s32 s5, $0x0;
	s5 =	sld [smem:$0x3FAF]  }
0x2b: {  	s6 =	sld [smem:$0x3FB0]  }
0x2c: {  	s7 =	sld [smem:$0x3FB1]  }
0x2d: {  	s3 =	simm.s32 $0x108;
	s8 =	sld [smem:$0x3FB2]  }
0x2e: {  	s3 =	simm.s32 @!p0 $0x1082;
	s9 =	sld [smem:$0x3FB3]  }
0x2f: {  	lr =	sadd.s32 s0, s3;
	s0 =	sld [smem:$0x3FAA]  }
0x30: {  	s3 =	sld [smem:$0x3FAD]  }
0x31: {  	[smem:$0x3FB6] =	sst s10  }
0x32: {  	s10 =	sld [smem:$0x3FB4];
	_ =	sdelay $0x3  }
0x33: {  	p0 =	seq.s32 s10, $0x1;
	s10 =	sld [smem:$0x3FB6];
	_ =	sdelay $0x3  }
0x34: {  	[smem:$0x3FB6] =	sst s10  }
0x35: {  	s10 =	sld [smem:$0x3FB5];
	_ =	sdelay $0x3  }
0x36: {  	p1 =	seq.s32 s10, $0x1;
	s10 =	sld [smem:$0x3FB6];
	_ =	sdelay $0x3  }
0x37: {  	[smem:$0x3FB6] =	sst s10  }
0x38: {  	s10 =	sld [smem:$0x3FB7]  }
0x39: {  	_ = 	snop;
	(pc) =	sbr.ind lr, $3  }
0x3a: {  	_ = 	snop  }
0x3b: {  	_ = 	snop  }
0x3c: {  	p2 =	seq.s32 s10, $0x1;
	s10 =	sld [smem:$0x3FB6]  }
0x3d: {  	_ =	shalt  }
0x3e: {  	_ =	shalt  }
0x3f: {  	_ =	shalt  }
0x40: {  	_ =	shalt  }
0x41: {  	_ =	shalt  }
0x42: {  	_ =	shalt  }
0x43: {  	_ =	shalt  }
0x44: {  	_ =	shalt  }
0x45: {  	_ =	shalt  }
0x46: {  	_ =	shalt  }
0x47: {  	_ =	shalt  }
0x48: {  	_ =	shalt  }
0x49: {  	_ =	shalt  }
0x4a: {  	_ =	shalt  }
0x4b: {  	_ =	shalt  }
0x4c: {  	_ =	shalt  }
0x4d: {  	_ =	shalt  }
0x4e: {  	_ =	shalt  }
0x4f: {  	_ =	shalt  }
0x50: {  	_ =	shalt  }
0x51: {  	_ =	shalt  }
0x52: {  	_ =	shalt  }
0x53: {  	_ =	shalt  }
0x54: {  	_ =	shalt  }
0x55: {  	_ =	shalt  }
0x56: {  	_ =	shalt  }
0x57: {  	_ =	shalt  }
0x58: {  	_ =	shalt  }
0x59: {  	_ =	shalt  }
0x5a: {  	_ =	shalt  }
0x5b: {  	_ =	shalt  }
0x5c: {  	_ =	shalt  }
0x5d: {  	_ =	shalt  }
0x5e: {  	_ =	shalt  }
0x5f: {  	_ =	shalt  }
0x60: {  	_ =	shalt  }
0x61: {  	_ =	shalt  }
0x62: {  	_ =	shalt  }
0x63: {  	_ =	shalt  }
0x64: {  	_ =	shalt  }
0x65: {  	_ =	shalt  }
0x66: {  	_ =	shalt  }
0x67: {  	_ =	shalt  }
0x68: {  	_ =	shalt  }
0x69: {  	_ =	shalt  }
0x6a: {  	_ =	shalt  }
0x6b: {  	_ =	shalt  }
0x6c: {  	_ =	shalt  }
0x6d: {  	_ =	shalt  }
0x6e: {  	_ =	shalt  }
0x6f: {  	_ =	shalt  }
0x70: {  	_ =	shalt  }
0x71: {  	_ =	shalt  }
0x72: {  	_ =	shalt  }
0x73: {  	_ =	shalt  }
0x74: {  	_ =	shalt  }
0x75: {  	_ =	shalt  }
0x76: {  	_ =	shalt  }
0x77: {  	_ =	shalt  }
0x78: {  	_ =	shalt  }
0x79: {  	_ =	shalt  }
0x7a: {  	_ =	shalt  }
0x7b: {  	_ =	shalt  }
0x7c: {  	_ =	shalt  }
0x7d: {  	_ =	shalt  }
0x7e: {  	_ =	shalt  }
0x7f: {  	_ =	shalt  }
0x80: {  	_ =	shalt  }
0x81: {  	_ =	shalt  }
0x82: {  	_ =	shalt  }
0x83: {  	_ =	shalt  }
0x84: {  	_ =	shalt  }
0x85: {  	_ =	shalt  }
0x86: {  	_ =	shalt  }
0x87: {  	_ =	shalt  }
.Lfunc_end0:
.L_simem_size_0:
called_computation.1_lowered:
.L_overlay_start_0:
0x88: {  	s2 =	sld [smem:$0x3FD9]  }
0x89: {  	s3 =	sld [smem:$0x3FFE];
	_ =	sdelay $0x1  }
0x8a: {  	s1 =	srdreg.scid  }
0x8b: {  	s0 =	sand.u32 $0x1, s1  }
0x8c: {  	s16 =	sshll.u32 s0, $0xA;
	s2 =	sadd.s32 s3, s2  }
0x8d: {  	s2 =	sadd.s32 s2, s16  }
0x8e: {  	[smem:$0x3FC2] =	sst s2  }
0x8f: {  	_ = 	snop  }
0x90: {  	(tm) =	ssettm $0x1  }
0x91: {  	s17 =	sld [smem:$0x3FFB];
	_ =	sdelay $0x3  }
0x92: {  	_ =	strace s17  }
0x93: {  	s2 =	sld [smem:$0x3FFC];
	_ =	sdelay $0x3  }
0x94: {  	_ =	strace s2  }
0x95: {  	s2 =	sld [smem:$0x3FFD];
	_ =	sdelay $0x3  }
0x96: {  	_ =	strace s2  }
0x97: {  	_ =	strace $0x8FFFFFFF  }
0x98: {  	s18 =	sld [smem:$0x3FDB];
	_ =	sdelay $0x1  }
0x99: {  	s19 =	simm.s32 $_scs_section_size  }
0x9a: {  	s4 =	simm.s32 $_size__tile_overlayer_lowered;
	s5 =	simm.s32 $_tile_overlayer_lowered  }
0x9b: {  	s22 =	simm.s32 $0x1BFF;
	s21 =	sshll.u32 s5, $0x1;
	s2 =	sadd.s32 s19, s18  }
0x9c: {  	s6 =	simm.s32 $0x0;
	s20 =	sshll.u32 s4, $0x1;
	s4 =	sadd.s32 s21, s2  }
0x9d: {  	[timem:s6], [sflag:s22] =	dma.local [hbm:s4], s20  }
0x9e: {  	_ =	swait.ge [sflag:s22], s20  }
0x9f: {  	s3 =	ssub.s32 $0x0, s20;
	[sflag:s22] =	ssyncset.done $0x0  }
0xa0: {  	[sflag:s22] =	ssyncadd.s32 s3;
	_ =	sdelay $0x1  }
0xa1: {  	s23 =	simm.s32 $0x1B8B  }
0xa2: {  	_ =	swait.ge [sflag:s23], $0x1  }
0xa3: {  	[sflag:s23] =	ssyncset.done $0x0  }
0xa4: {  	s25 =	simm.s32 $0x1B8E;
	s24 =	sld [smem:$0x3FFE];
	[sflag:s23] =	ssyncadd.s32 $0xFFFFFFFF  }
0xa5: {  	s26 =	simm.s32 $execute0_lowered;
	[smem:$0x3FD2] =	sst s25  }
0xa6: {  	s4 =	sshll.u32 s26, $0x1;
	_ =	strace $0x80000049;
	[dreg:$0x1] =	wrdreg $0xFFFFFFFF  }
0xa7: {  	s28 =	simm.s32 $_size_execute0_lowered;
	s2 =	sadd.s32 s2, s4;
	[dreg:$0x0] =	wrdreg $0x0  }
0xa8: {  	s4 =	sshll.u32 s28, $0x1;
	[dreg:$0x2] =	wrdreg s2  }
0xa9: {  	[dreg:$0x3] =	wrdreg s4  }
0xaa: {  	[dreg:$0x4] =	wrdreg $0xC0  }
0xab: {  	_ =	task [dreg:s6], $0x5FFFF  }
0xac: {  	[dreg:$0x1] =	wrdreg $0xFFFFFFFF  }
0xad: {  	[dreg:$0x0] =	wrdreg $0x60  }
0xae: {  	[dreg:$0x2] =	wrdreg s24  }
0xaf: {  	[dreg:$0x3] =	wrdreg $0x82000  }
0xb0: {  	[dreg:$0x4] =	wrdreg $0x9  }
0xb1: {  	_ =	task.clear_ibuf [dreg:s6], $0x5FFFF;
	_ =	strace $0x90000049  }
0xb2: {  	s29 =	simm.s32 $0x9;
	_ =	strace $0x8000004B  }
0xb3: {  	_ =	swait.ge [sflag:s29], $0x1  }
0xb4: {  	[sflag:s29] =	ssyncadd.s32 $0xFFFFFFFF  }
0xb5: {  	_ =	strace $0x9000004B  }
0xb6: {  	_ =	sfence  }
0xb7: {  	s30 =	sld [smem:$0x0];
	_ =	sdelay $0x2  }
0xb8: {  	s31 =	sshll.u32 s1, $0xD;
	s1 =	sshrl.u32 s1, $0x2  }
0xb9: {  	s3 =	sand.u32 $0x4000, s31;
	s1 =	sadd.s32 s1, s30  }
0xba: {  	s0 =	sor.u32 s3, s0;
	s1 =	sshll.u32 s1, $0x11  }
0xbb: {  	s0 =	sor.u32 s1, s0  }
0xbc: {  	s0 =	sadd.s32 $0x8F2B, s0  }
0xbd: {  	[sflag:s0] =	ssyncadd.remote.s32 $0x1  }
0xbe: {  	_ =	sfence.sel $0xFFFF  }
0xbf: {  	[dreg:$0x0] =	wrdreg $0xFFFFFFFF;
	(pc) =	sbr.abs _section_cstart, $3  }
0xc0: {  	[dreg:$0x1] =	wrdreg $0xFFFFFFFF  }
0xc1: {  	_ =	task.clear_ibuf [dreg:s6], $0x2FFFF;
	_ =	strace $0x9FFFFFFF  }
0xc2: {  	(tm) =	ssettm $0x7FFFFFFF  }
0xc3: {  	_ =	shalt  }
tec
execute0_lowered:
.L_overlay_start_1:
0x0: {  	(tag) =	ssettag $0x1  }
0x1: {  	s1 =	srdreg.scid  }
0x2: {  	s0 =	stileid.u32;
	s5 =	rddreg [dreg:$0x0]  }
0x3: {  	s2 =	rddreg [dreg:$0x1];
	s3 =	simm.s32 $0x0;
	s13 =	simm.s32 $0x80  }
0x4: {  	s14 =	simm.s32 $0x100;
	s15 =	simm.s32 $0x180;
	s16 =	simm.s32 $0x200  }
0x5: {  	s17 =	simm.s32 $0x4200;
	s18 =	simm.s32 $0x1;
	s4 =	smul.u32 $0x5000, s0  }
0x6: {  	s19 =	simm.s32 $0x2;
	s20 =	simm.s32 $0x0;
	s26 =	smul.u32 $0x13C00, s0  }
0x7: {  	s6 =	sand.u32 $0x1, s1;
	s1 =	rddreg [dreg:$0x2];
	s29 =	smul.u32 $0x4F000, s0  }
0x8: {  	[smem:$0x7FF] =	sst s3;
	s31 =	sshll.u32 s0, $0x6;
	s7 =	smul.u32 $0x2800, s6  }
0x9: {  	_ =	strace $0x8000004A;
	s9 =	smul.u32 $0x13C000, s6;
	s6 =	ssub.s32 $0x2, s6  }
0xa: {  	s28 =	sshrl.u32 s26, $0x3;
	s11 =	sshrl.u32 s6, $0x1;
	s30 =	sshrl.u32 s29, $0x2  }
0xb: {  	s4 =	sadd.s32 s7, s4;
	s7 =	sadd.s32 s26, s9;
	s11 =	ssub.s32 s6, s11  }
0xc: {  	s12 =	sadd.s32 s30, s2;
	s6 =	sor.u32 $0x1C03, s31;
	s8 =	sshrl.u32 s4, $0x3  }
0xd: {  	s7 =	sshrl.u32 s7, $0x3;
	s10 =	sadd.s32 s8, s5;
	s8 =	sadd.s32 s28, s5  }
0xe: {  	s4 =	sadd.s32 $0x8D400, s5;
	s7 =	sadd.s32 s7, s5;
	s5 =	sadd.s32 $0x16C00, s8  }
0xf: {  	s7 =	sadd.s32 $0xB4C00, s7;
	s8 =	smax.u32 s11, $0x1;
	s9 =	sadd.s32 $0x2C00, s10  }
0x10: {  	s10 =	sadd.s32 $0xCC00, s10;
	s11 =	sshrl.u32 s12, $0x3;
	s12 =	simm.s32 $0x3  }
.LBB2_1:
0x11: {  	[spmem:s11], [sflag:s6] =	dma.local [hbm:s5], $0x2780  }
0x12: {  	_ =	swait.ge [sflag:s12], $0x2780  }
0x13: {  	[sflag:s12] =	ssyncset.done $0x0  }
0x14: {  	[sflag:s12] =	ssyncadd.s32 $0xFFFFD880  }
0x15: {  	s21 =	sadd.s32 $0x0, s9;
	[bflag:$0x0] =	sbarrier.arrive $0xFFFF  }
0x16: {  	[tilespmem:s3], [sflag:$0x3] =	stream.linear.gather [hbm4b:s21+s3], $0x80, $0x38;
	[tilespmem:$0x1BE00] =	vst v63  }
0x17: {  	_ =	swait.ge [sflag:s12], $0x80  }
0x18: {  	[sflag:s12] =	ssyncset.done $0x0  }
0x19: {  	s21 =	sadd.s32 $0x10, s21;
	[sflag:s12] =	ssyncadd.s32 $0xFFFFFF80  }
0x1a: {  	[tilespmem:s13], [sflag:$0x3] =	stream.linear.gather [hbm4b:s21+s3], $0x80, $0x38;
	[tilespmem:$0x1BE00] =	vst v63  }
0x1b: {  	_ =	swait.ge [sflag:s12], $0x80  }
0x1c: {  	[sflag:s12] =	ssyncset.done $0x0  }
0x1d: {  	s31 =	sadd.s32 $0x0, s10;
	[sflag:s12] =	ssyncadd.s32 $0xFFFFFF80  }
0x1e: {  	[tilespmem:s14], [sflag:$0x3] =	stream.linear.gather [hbm4b:s31+s3], $0x80, $0x38;
	[tilespmem:$0x1BE00] =	vst v63  }
0x1f: {  	_ =	swait.ge [sflag:s12], $0x80  }
0x20: {  	[sflag:s12] =	ssyncset.done $0x0  }
0x21: {  	s21 =	sadd.s32 $0x10, s31;
	[sflag:s12] =	ssyncadd.s32 $0xFFFFFF80  }
0x22: {  	[tilespmem:s15], [sflag:$0x3] =	stream.linear.gather [hbm4b:s21+s3], $0x80, $0x38;
	[tilespmem:$0x1BE00] =	vst v63  }
0x23: {  	_ =	swait.ge [sflag:s12], $0x80  }
0x24: {  	[sflag:s12] =	ssyncset.done $0x0  }
0x25: {  	[sflag:s12] =	ssyncadd.s32 $0xFFFFFF80  }
0x26: {  	[tilespmem:s16], [sflag:$0x1] =	stream.indirect.gather [hbm4b:s4+s13], $0x80, s3, s13, $0xb8;
	[tilespmem:$0x1BE00] =	vst v63  }
0x27: {  	_ = 	snop  }
0x28: {  	[tilespmem:s17], [sflag:$0x2] =	stream.indirect.gather [hbm4b:s4+s13], $0x80, s13, s13, $0xb8;
	[tilespmem:$0x1BE00] =	vst v63  }
0x29: {  	_ =	swait.ge [sflag:s18], $0x4000  }
0x2a: {  	[sflag:s18] =	ssyncset.done $0x0  }
0x2b: {  	[sflag:s18] =	ssyncadd.s32 $0xFFFFC000  }
0x2c: {  	[spmem:s2] =	stream.indirect.scatter.add.f32 [tilespmem:s16], [sflag:$0x3], $0x80, s14, s13, $0xb8;
	[tilespmem:$0x1BE00] =	vst v63  }
0x2d: {  	_ =	swait.ge [sflag:s12], $0x4000  }
0x2e: {  	[sflag:s12] =	ssyncset.done $0x0  }
0x2f: {  	[sflag:s12] =	ssyncadd.s32 $0xFFFFC000  }
0x30: {  	_ =	swait.ge [sflag:s19], $0x4000  }
0x31: {  	[sflag:s19] =	ssyncset.done $0x0  }
0x32: {  	[sflag:s19] =	ssyncadd.s32 $0xFFFFC000  }
0x33: {  	[spmem:s2] =	stream.indirect.scatter.add.f32 [tilespmem:s17], [sflag:$0x3], $0x80, s15, s13, $0xb8;
	[tilespmem:$0x1BE00] =	vst v63  }
0x34: {  	_ =	swait.ge [sflag:s12], $0x4000  }
0x35: {  	s23 =	simm.s32 $0x40;
	s21 =	simm.s32 $0x20;
	[sflag:s12] =	ssyncset.done $0x0  }
.LBB2_2:
0x36: {  	s24 =	sadd.s32 s21, s9  }
0x37: {  	[sflag:s12] =	ssyncadd.s32 $0xFFFFC000;
	s25 =	smov.u32 s23;
	s22 =	sadd.s32 $0x20, s23  }
0x38: {  	[tilespmem:s3], [sflag:$0x3] =	stream.linear.gather [hbm4b:s24+s3], $0x80, $0x38;
	[tilespmem:$0x1BE00] =	vst v63  }
0x39: {  	p0 =	sne.s32 s23, $0x4E0;
	_ =	swait.ge [sflag:s12], $0x80  }
0x3a: {  	[sflag:s12] =	ssyncset.done $0x0  }
0x3b: {  	s23 =	sadd.s32 $0x10, s24;
	[sflag:s12] =	ssyncadd.s32 $0xFFFFFF80  }
0x3c: {  	[tilespmem:s13], [sflag:$0x3] =	stream.linear.gather [hbm4b:s23+s3], $0x80, $0x38;
	[tilespmem:$0x1BE00] =	vst v63  }
0x3d: {  	_ =	swait.ge [sflag:s12], $0x80  }
0x3e: {  	[sflag:s12] =	ssyncset.done $0x0  }
0x3f: {  	s23 =	sadd.s32 s21, s10;
	s21 =	smov.u32 s25;
	[sflag:s12] =	ssyncadd.s32 $0xFFFFFF80  }
0x40: {  	[tilespmem:s14], [sflag:$0x3] =	stream.linear.gather [hbm4b:s23+s3], $0x80, $0x38;
	[tilespmem:$0x1BE00] =	vst v63  }
0x41: {  	_ =	swait.ge [sflag:s12], $0x80  }
0x42: {  	[sflag:s12] =	ssyncset.done $0x0  }
0x43: {  	s23 =	sadd.s32 $0x10, s23;
	[sflag:s12] =	ssyncadd.s32 $0xFFFFFF80  }
0x44: {  	[tilespmem:s15], [sflag:$0x3] =	stream.linear.gather [hbm4b:s23+s3], $0x80, $0x38;
	[tilespmem:$0x1BE00] =	vst v63  }
0x45: {  	_ =	swait.ge [sflag:s12], $0x80  }
0x46: {  	[sflag:s12] =	ssyncset.done $0x0  }
0x47: {  	[sflag:s12] =	ssyncadd.s32 $0xFFFFFF80  }
0x48: {  	[tilespmem:s16], [sflag:$0x1] =	stream.indirect.gather [hbm4b:s4+s13], $0x80, s3, s13, $0xb8;
	[tilespmem:$0x1BE00] =	vst v63  }
0x49: {  	_ = 	snop  }
0x4a: {  	[tilespmem:s17], [sflag:$0x2] =	stream.indirect.gather [hbm4b:s4+s13], $0x80, s13, s13, $0xb8;
	[tilespmem:$0x1BE00] =	vst v63  }
0x4b: {  	_ =	swait.ge [sflag:s18], $0x4000  }
0x4c: {  	[sflag:s18] =	ssyncset.done $0x0  }
0x4d: {  	[sflag:s18] =	ssyncadd.s32 $0xFFFFC000  }
0x4e: {  	[spmem:s2] =	stream.indirect.scatter.add.f32 [tilespmem:s16], [sflag:$0x3], $0x80, s14, s13, $0xb8;
	[tilespmem:$0x1BE00] =	vst v63  }
0x4f: {  	_ =	swait.ge [sflag:s12], $0x4000  }
0x50: {  	[sflag:s12] =	ssyncset.done $0x0  }
0x51: {  	[sflag:s12] =	ssyncadd.s32 $0xFFFFC000  }
0x52: {  	_ =	swait.ge [sflag:s19], $0x4000  }
.Ltmp0:
0x53: {  	[sflag:s19] =	ssyncset.done $0x0;
	(pc) =	sbr.rel @p0 .LBB2_2-.Ltmp0, $4  }
0x54: {  	[sflag:s19] =	ssyncadd.s32 $0xFFFFC000  }
0x55: {  	[spmem:s2] =	stream.indirect.scatter.add.f32 [tilespmem:s17], [sflag:$0x3], $0x80, s15, s13, $0xb8;
	[tilespmem:$0x1BE00] =	vst v63  }
0x56: {  	_ =	swait.ge [sflag:s12], $0x4000  }
0x57: {  	s23 =	smov.u32 s22;
	[sflag:s12] =	ssyncset.done $0x0  }
0x58: {  	s22 =	sadd.s32 s21, s9;
	[sflag:s12] =	ssyncadd.s32 $0xFFFFC000  }
0x59: {  	[tilespmem:s3], [sflag:$0x3] =	stream.linear.gather [hbm4b:s22+s3], $0x80, $0x38;
	[tilespmem:$0x1BE00] =	vst v63  }
0x5a: {  	_ =	swait.ge [sflag:s12], $0x80  }
0x5b: {  	[sflag:s12] =	ssyncset.done $0x0  }
0x5c: {  	s22 =	sadd.s32 $0x10, s22;
	[sflag:s12] =	ssyncadd.s32 $0xFFFFFF80  }
0x5d: {  	[tilespmem:s13], [sflag:$0x3] =	stream.linear.gather [hbm4b:s22+s3], $0x80, $0x38;
	[tilespmem:$0x1BE00] =	vst v63  }
0x5e: {  	_ =	swait.ge [sflag:s12], $0x80  }
0x5f: {  	[sflag:s12] =	ssyncset.done $0x0  }
0x60: {  	s31 =	sadd.s32 s21, s10;
	[sflag:s12] =	ssyncadd.s32 $0xFFFFFF80  }
0x61: {  	[tilespmem:s14], [sflag:$0x3] =	stream.linear.gather [hbm4b:s31+s3], $0x80, $0x38;
	[tilespmem:$0x1BE00] =	vst v63  }
0x62: {  	_ =	swait.ge [sflag:s12], $0x80  }
0x63: {  	[sflag:s12] =	ssyncset.done $0x0  }
0x64: {  	s21 =	sadd.s32 $0x10, s31;
	[sflag:s12] =	ssyncadd.s32 $0xFFFFFF80  }
0x65: {  	[tilespmem:s15], [sflag:$0x3] =	stream.linear.gather [hbm4b:s21+s3], $0x80, $0x38;
	[tilespmem:$0x1BE00] =	vst v63  }
0x66: {  	_ =	swait.ge [sflag:s12], $0x80  }
0x67: {  	[sflag:s12] =	ssyncset.done $0x0  }
0x68: {  	[sflag:s12] =	ssyncadd.s32 $0xFFFFFF80  }
0x69: {  	[tilespmem:s16], [sflag:$0x1] =	stream.indirect.gather [hbm4b:s4+s13], $0x80, s3, s13, $0xb8;
	[tilespmem:$0x1BE00] =	vst v63  }
0x6a: {  	_ = 	snop  }
0x6b: {  	[tilespmem:s17], [sflag:$0x2] =	stream.indirect.gather [hbm4b:s4+s13], $0x80, s13, s13, $0xb8;
	[tilespmem:$0x1BE00] =	vst v63  }
0x6c: {  	_ =	swait.ge [sflag:s18], $0x4000  }
0x6d: {  	[sflag:s18] =	ssyncset.done $0x0  }
0x6e: {  	[sflag:s18] =	ssyncadd.s32 $0xFFFFC000  }
0x6f: {  	[spmem:s2] =	stream.indirect.scatter.add.f32 [tilespmem:s16], [sflag:$0x3], $0x80, s14, s13, $0xb8;
	[tilespmem:$0x1BE00] =	vst v63  }
0x70: {  	_ =	swait.ge [sflag:s12], $0x4000  }
0x71: {  	[sflag:s12] =	ssyncset.done $0x0  }
0x72: {  	[sflag:s12] =	ssyncadd.s32 $0xFFFFC000  }
0x73: {  	_ =	swait.ge [sflag:s19], $0x4000  }
0x74: {  	[sflag:s19] =	ssyncset.done $0x0  }
0x75: {  	[sflag:s19] =	ssyncadd.s32 $0xFFFFC000  }
0x76: {  	[spmem:s2] =	stream.indirect.scatter.add.f32 [tilespmem:s17], [sflag:$0x3], $0x80, s15, s13, $0xb8;
	[tilespmem:$0x1BE00] =	vst v63  }
0x77: {  	_ =	swait.ge [sflag:s12], $0x4000  }
0x78: {  	s20 =	sadd.s32 $0x1, s20;
	[sflag:s12] =	ssyncset.done $0x0  }
0x79: {  	p0 =	sne.s32 s20, s8;
	[sflag:s12] =	ssyncadd.s32 $0xFFFFC000  }
.Ltmp1:
0x7a: {  	[bflag:$0x0] =	sbarrier.arrive $0xFFFF;
	(pc) =	sbr.rel @p0 .LBB2_1-.Ltmp1, $4  }
0x7b: {  	[hbm:s7], [sflag:s6] =	dma.local [spmem:s11], $0x2780  }
0x7c: {  	_ =	swait.ge [sflag:s12], $0x2780  }
0x7d: {  	[sflag:s12] =	ssyncset.done $0x0  }
0x7e: {  	[sflag:s12] =	ssyncadd.s32 $0xFFFFD880  }
0x7f: {  	_ =	sfence.sel $0x180000  }
0x80: {  	[bflag:$0x0] =	sbarrier.arrive $0xFFFF  }
0x81: {  	p0 =	sne.s32 s0, $0x0;
	_ =	strace $0x9000004A  }
0x82: {  	s0 =	sadd.s32 @!p0 $0x100000, s1;
	[bflag:$0x2] =	sbarrier.arrive $0xFFFF  }
0x83: {  	[sflag:s0] =	ssyncadd.tile.s32 @!p0 $0x1;
	_ =	shalt  }
.Lfunc_end2:
_tile_overlayer_lowered:
.L_overlay_start_2:
0x84: {  	(tag) =	ssettag $0x2  }
0x85: {  	s0 =	rddreg [dreg:$0x0];
	s2 =	stileid.u32  }
0x86: {  	s1 =	rddreg [dreg:$0x1];
	p0 =	sne.s32 s2, $0x0  }
0x87: {  	s3 =	rddreg [dreg:$0x2];
	[bflag:$0x3] =	sbarrier.arrive $0xFFFF;
	s2 =	simm.s32 @!p0 $0x1C03  }
0x88: {  	[timem:s3], [sflag:s2] =	dma.local @!p0 [hbm:s0], s1  }
0x89: {  	s0 =	simm.s32 @!p0 $0x3  }
0x8a: {  	_ =	swait.ge @!p0 [sflag:s0], s1  }
0x8b: {  	s1 =	ssub.s32 @!p0 $0x0, s1;
	[sflag:s0] =	ssyncset.done @!p0 $0x0  }
0x8c: {  	[sflag:s0] =	ssyncadd.s32 @!p0 s1  }
0x8d: {  	[bflag:$0x3] =	sbarrier.arrive $0xFFFF  }
0x8e: {  	_ =	shalt  }

// kernel: kernel.14.cloned.1.call-start
scs
__scs_entry_jumppad:
0x0: {  	(pc) =	sbr.rel $0x88, $3  }
0x1: {  	(tag) =	ssettag $0x0;
	lr =	simm.s32 $0x1  }
0x2: {  	[smem:$0x3F9B] =	sst lr;
	_ =	strace $0xD0000000  }
0x3: {  	_ = 	snop  }
0x4: {  	_ = 	snop  }
0x5: {  	_ = 	snop  }
0x6: {  	_ = 	snop  }
0x7: {  	_ = 	snop  }
__scs_overlays_trampoline_lowered:
0x8: {  	[smem:$0x3FAA] =	sst s0  }
0x9: {  	[smem:$0x3FAB] =	sst s1  }
0xa: {  	[smem:$0x3FAC] =	sst s2  }
0xb: {  	[smem:$0x3FAD] =	sst s3  }
0xc: {  	[smem:$0x3FAE] =	sst s4  }
0xd: {  	[smem:$0x3FAF] =	sst s5  }
0xe: {  	[smem:$0x3FB0] =	sst s6  }
0xf: {  	[smem:$0x3FB1] =	sst s7  }
0x10: {  	[smem:$0x3FB2] =	sst s8  }
0x11: {  	[smem:$0x3FB3] =	sst s9;
	s0 =	simm.s32 @!p0 $0x0  }
0x12: {  	s1 =	sld [smem:$0x3F99];
	s0 =	simm.s32 @p0 $0x1  }
0x13: {  	[smem:$0x3FB4] =	sst s0;
	s0 =	simm.s32 @!p1 $0x0  }
0x14: {  	s2 =	sld [smem:$0x3F98];
	s0 =	simm.s32 @p1 $0x1  }
0x15: {  	[smem:$0x3FB5] =	sst s0;
	s0 =	simm.s32 @!p2 $0x0  }
0x16: {  	s3 =	sld [smem:$0x3FDB];
	s0 =	simm.s32 @p2 $0x1  }
0x17: {  	s4 =	simm.s32 $0x1BF5;
	[smem:$0x3FB7] =	sst s0  }
0x18: {  	s0 =	sld [smem:$0x3F9A];
	_ =	swait.ge [sflag:s4], $0x0  }
0x19: {  	s7 =	sld [smem:$0x3F9B]  }
0x1a: {  	s8 =	sadd.s32 $0xFFFFE003, lr  }
0x1b: {  	s9 =	sadd.s32 $0xFFFFFEF7, lr;
	s5 =	simm.s32 $0xFFFFFFFF;
	p2 =	slt.u32 s8, $0xFFFFF086  }
0x1c: {  	p1 =	slt.u32 s9, $0xF7A;
	s5 =	simm.s32 @!p2 $0x0  }
0x1d: {  	s5 =	simm.s32 @p1 $0x1;
	p0 =	seq.s32 s7, s2  }
0x1e: {  	s7 =	smul.u32 @!p0 $0xF7A, s2;
	p2 =	seq.s32 @!p0 s5, $0x0  }
0x1f: {  	s9 =	smul.u32 $0xF7A, s1;
	s8 =	simm.s32 @!p0 $0x1BF5;
	p2 =	por !p2, p0  }
0x20: {  	[sflag:s8] =	ssyncset.s32 @!p0 $0xFFFFF086;
	s6 =	sadd.s32 @!p0 s3, s7;
	s7 =	simm.s32 @!p0 $0x108  }
0x21: {  	s3 =	sadd.s32 s3, s9;
	s6 =	sadd.s32 @!p0 $0x88, s6;
	s7 =	simm.s32 @p2 $0x1082  }
0x22: {  	[simem:s7], [sflag:s8] =	dma.local @!p0 [hbm:s6], $0xF7A  }
0x23: {  	s9 =	sor.u32 $0xD0000000, s2;
	s6 =	simm.s32 $0x108;
	_ =	swait.ge @!p0 [sflag:s8], $0x0  }
0x24: {  	s3 =	sadd.s32 $0x88, s3;
	s6 =	simm.s32 @!p1 $0x1082;
	[sflag:s4] =	ssyncset.s32 $0xFFFFF086  }
0x25: {  	[simem:s6], [sflag:s4] =	dma.local [hbm:s3], $0xF7A  }
0x26: {  	[smem:$0x3F9B] =	sst s1;
	(tag) =	ssettag s2;
	_ =	strace s9  }
0x27: {  	s1 =	sld [smem:$0x3FAB]  }
0x28: {  	s2 =	sld [smem:$0x3FAC]  }
0x29: {  	s4 =	sld [smem:$0x3FAE]  }
0x2a: {  	p0 =	seq.s32 s5, $0x0;
	s5 =	sld [smem:$0x3FAF]  }
0x2b: {  	s6 =	sld [smem:$0x3FB0]  }
0x2c: {  	s7 =	sld [smem:$0x3FB1]  }
0x2d: {  	s3 =	simm.s32 $0x108;
	s8 =	sld [smem:$0x3FB2]  }
0x2e: {  	s3 =	simm.s32 @!p0 $0x1082;
	s9 =	sld [smem:$0x3FB3]  }
0x2f: {  	lr =	sadd.s32 s0, s3;
	s0 =	sld [smem:$0x3FAA]  }
0x30: {  	s3 =	sld [smem:$0x3FAD]  }
0x31: {  	[smem:$0x3FB6] =	sst s10  }
0x32: {  	s10 =	sld [smem:$0x3FB4];
	_ =	sdelay $0x3  }
0x33: {  	p0 =	seq.s32 s10, $0x1;
	s10 =	sld [smem:$0x3FB6];
	_ =	sdelay $0x3  }
0x34: {  	[smem:$0x3FB6] =	sst s10  }
0x35: {  	s10 =	sld [smem:$0x3FB5];
	_ =	sdelay $0x3  }
0x36: {  	p1 =	seq.s32 s10, $0x1;
	s10 =	sld [smem:$0x3FB6];
	_ =	sdelay $0x3  }
0x37: {  	[smem:$0x3FB6] =	sst s10  }
0x38: {  	s10 =	sld [smem:$0x3FB7]  }
0x39: {  	_ = 	snop;
	(pc) =	sbr.ind lr, $3  }
0x3a: {  	_ = 	snop  }
0x3b: {  	_ = 	snop  }
0x3c: {  	p2 =	seq.s32 s10, $0x1;
	s10 =	sld [smem:$0x3FB6]  }
0x3d: {  	_ =	shalt  }
0x3e: {  	_ =	shalt  }
0x3f: {  	_ =	shalt  }
0x40: {  	_ =	shalt  }
0x41: {  	_ =	shalt  }
0x42: {  	_ =	shalt  }
0x43: {  	_ =	shalt  }
0x44: {  	_ =	shalt  }
0x45: {  	_ =	shalt  }
0x46: {  	_ =	shalt  }
0x47: {  	_ =	shalt  }
0x48: {  	_ =	shalt  }
0x49: {  	_ =	shalt  }
0x4a: {  	_ =	shalt  }
0x4b: {  	_ =	shalt  }
0x4c: {  	_ =	shalt  }
0x4d: {  	_ =	shalt  }
0x4e: {  	_ =	shalt  }
0x4f: {  	_ =	shalt  }
0x50: {  	_ =	shalt  }
0x51: {  	_ =	shalt  }
0x52: {  	_ =	shalt  }
0x53: {  	_ =	shalt  }
0x54: {  	_ =	shalt  }
0x55: {  	_ =	shalt  }
0x56: {  	_ =	shalt  }
0x57: {  	_ =	shalt  }
0x58: {  	_ =	shalt  }
0x59: {  	_ =	shalt  }
0x5a: {  	_ =	shalt  }
0x5b: {  	_ =	shalt  }
0x5c: {  	_ =	shalt  }
0x5d: {  	_ =	shalt  }
0x5e: {  	_ =	shalt  }
0x5f: {  	_ =	shalt  }
0x60: {  	_ =	shalt  }
0x61: {  	_ =	shalt  }
0x62: {  	_ =	shalt  }
0x63: {  	_ =	shalt  }
0x64: {  	_ =	shalt  }
0x65: {  	_ =	shalt  }
0x66: {  	_ =	shalt  }
0x67: {  	_ =	shalt  }
0x68: {  	_ =	shalt  }
0x69: {  	_ =	shalt  }
0x6a: {  	_ =	shalt  }
0x6b: {  	_ =	shalt  }
0x6c: {  	_ =	shalt  }
0x6d: {  	_ =	shalt  }
0x6e: {  	_ =	shalt  }
0x6f: {  	_ =	shalt  }
0x70: {  	_ =	shalt  }
0x71: {  	_ =	shalt  }
0x72: {  	_ =	shalt  }
0x73: {  	_ =	shalt  }
0x74: {  	_ =	shalt  }
0x75: {  	_ =	shalt  }
0x76: {  	_ =	shalt  }
0x77: {  	_ =	shalt  }
0x78: {  	_ =	shalt  }
0x79: {  	_ =	shalt  }
0x7a: {  	_ =	shalt  }
0x7b: {  	_ =	shalt  }
0x7c: {  	_ =	shalt  }
0x7d: {  	_ =	shalt  }
0x7e: {  	_ =	shalt  }
0x7f: {  	_ =	shalt  }
0x80: {  	_ =	shalt  }
0x81: {  	_ =	shalt  }
0x82: {  	_ =	shalt  }
0x83: {  	_ =	shalt  }
0x84: {  	_ =	shalt  }
0x85: {  	_ =	shalt  }
0x86: {  	_ =	shalt  }
0x87: {  	_ =	shalt  }
.Lfunc_end0:
.L_simem_size_0:
called_computation.2_lowered:
.L_overlay_start_0:
0x88: {  	s2 =	sld [smem:$0x3FD9]  }
0x89: {  	s3 =	sld [smem:$0x3FFE];
	_ =	sdelay $0x1  }
0x8a: {  	s1 =	srdreg.scid  }
0x8b: {  	s0 =	sand.u32 $0x1, s1  }
0x8c: {  	s16 =	sshll.u32 s0, $0xA;
	s2 =	sadd.s32 s3, s2  }
0x8d: {  	s2 =	sadd.s32 s2, s16  }
0x8e: {  	[smem:$0x3FC2] =	sst s2  }
0x8f: {  	_ = 	snop  }
0x90: {  	(tm) =	ssettm $0x1  }
0x91: {  	s17 =	sld [smem:$0x3FFB];
	_ =	sdelay $0x3  }
0x92: {  	_ =	strace s17  }
0x93: {  	s2 =	sld [smem:$0x3FFC];
	_ =	sdelay $0x3  }
0x94: {  	_ =	strace s2  }
0x95: {  	s2 =	sld [smem:$0x3FFD];
	_ =	sdelay $0x3  }
0x96: {  	_ =	strace s2  }
0x97: {  	_ =	strace $0x8FFFFFFF  }
0x98: {  	s18 =	sld [smem:$0x3FDB];
	_ =	sdelay $0x1  }
0x99: {  	s19 =	simm.s32 $_scs_section_size  }
0x9a: {  	s4 =	simm.s32 $_size__tile_overlayer_lowered;
	s5 =	simm.s32 $_tile_overlayer_lowered  }
0x9b: {  	s22 =	simm.s32 $0x1BFF;
	s21 =	sshll.u32 s5, $0x1;
	s2 =	sadd.s32 s19, s18  }
0x9c: {  	s6 =	simm.s32 $0x0;
	s20 =	sshll.u32 s4, $0x1;
	s4 =	sadd.s32 s21, s2  }
0x9d: {  	[timem:s6], [sflag:s22] =	dma.local [hbm:s4], s20  }
0x9e: {  	_ =	swait.ge [sflag:s22], s20  }
0x9f: {  	s3 =	ssub.s32 $0x0, s20;
	[sflag:s22] =	ssyncset.done $0x0  }
0xa0: {  	[sflag:s22] =	ssyncadd.s32 s3;
	_ =	sdelay $0x1  }
0xa1: {  	s23 =	simm.s32 $0x1B8B  }
0xa2: {  	_ =	swait.ge [sflag:s23], $0x1  }
0xa3: {  	[sflag:s23] =	ssyncset.done $0x0  }
0xa4: {  	s25 =	simm.s32 $0x1B8E;
	s24 =	sld [smem:$0x3FFE];
	[sflag:s23] =	ssyncadd.s32 $0xFFFFFFFF  }
0xa5: {  	s26 =	simm.s32 $execute0_lowered;
	[smem:$0x3FD2] =	sst s25  }
0xa6: {  	s4 =	sshll.u32 s26, $0x1;
	_ =	strace $0x8000004C;
	[dreg:$0x1] =	wrdreg $0xFFFFFFFF  }
0xa7: {  	s28 =	simm.s32 $_size_execute0_lowered;
	s2 =	sadd.s32 s2, s4;
	[dreg:$0x0] =	wrdreg $0x0  }
0xa8: {  	s4 =	sshll.u32 s28, $0x1;
	[dreg:$0x2] =	wrdreg s2  }
0xa9: {  	[dreg:$0x3] =	wrdreg s4  }
0xaa: {  	[dreg:$0x4] =	wrdreg $0xC0  }
0xab: {  	_ =	task [dreg:s6], $0x5FFFF  }
0xac: {  	[dreg:$0x1] =	wrdreg $0xFFFFFFFF  }
0xad: {  	[dreg:$0x0] =	wrdreg $0x60  }
0xae: {  	[dreg:$0x2] =	wrdreg s24  }
0xaf: {  	[dreg:$0x3] =	wrdreg $0x82000  }
0xb0: {  	[dreg:$0x4] =	wrdreg $0x9  }
0xb1: {  	_ =	task.clear_ibuf [dreg:s6], $0x5FFFF;
	_ =	strace $0x9000004C  }
0xb2: {  	s29 =	simm.s32 $0x9;
	_ =	strace $0x8000004E  }
0xb3: {  	_ =	swait.ge [sflag:s29], $0x1  }
0xb4: {  	[sflag:s29] =	ssyncadd.s32 $0xFFFFFFFF  }
0xb5: {  	_ =	strace $0x9000004E  }
0xb6: {  	_ =	sfence  }
0xb7: {  	s30 =	sld [smem:$0x0];
	_ =	sdelay $0x2  }
0xb8: {  	s31 =	sshll.u32 s1, $0xD;
	s1 =	sshrl.u32 s1, $0x2  }
0xb9: {  	s3 =	sand.u32 $0x4000, s31;
	s1 =	sadd.s32 s1, s30  }
0xba: {  	s0 =	sor.u32 s3, s0;
	s1 =	sshll.u32 s1, $0x11  }
0xbb: {  	s0 =	sor.u32 s1, s0  }
0xbc: {  	s0 =	sadd.s32 $0x8F2B, s0  }
0xbd: {  	[sflag:s0] =	ssyncadd.remote.s32 $0x1  }
0xbe: {  	_ =	sfence.sel $0xFFFF  }
0xbf: {  	[dreg:$0x0] =	wrdreg $0xFFFFFFFF;
	(pc) =	sbr.abs _section_cstart, $3  }
0xc0: {  	[dreg:$0x1] =	wrdreg $0xFFFFFFFF  }
0xc1: {  	_ =	task.clear_ibuf [dreg:s6], $0x2FFFF;
	_ =	strace $0x9FFFFFFF  }
0xc2: {  	(tm) =	ssettm $0x7FFFFFFF  }
0xc3: {  	_ =	shalt  }
tec
execute0_lowered:
.L_overlay_start_1:
0x0: {  	(tag) =	ssettag $0x1  }
0x1: {  	s1 =	srdreg.scid  }
0x2: {  	s0 =	stileid.u32;
	s5 =	rddreg [dreg:$0x0]  }
0x3: {  	s2 =	rddreg [dreg:$0x1];
	s3 =	simm.s32 $0x0;
	s13 =	simm.s32 $0x80  }
0x4: {  	s14 =	simm.s32 $0x100;
	s15 =	simm.s32 $0x180;
	s16 =	simm.s32 $0x200  }
0x5: {  	s17 =	simm.s32 $0x4200;
	s18 =	simm.s32 $0x1;
	s4 =	smul.u32 $0x5000, s0  }
0x6: {  	s19 =	simm.s32 $0x2;
	s20 =	simm.s32 $0x0;
	s26 =	smul.u32 $0x13C00, s0  }
0x7: {  	s6 =	sand.u32 $0x1, s1;
	s1 =	rddreg [dreg:$0x2];
	s29 =	smul.u32 $0x4F000, s0  }
0x8: {  	[smem:$0x7FF] =	sst s3;
	s31 =	sshll.u32 s0, $0x6;
	s7 =	smul.u32 $0x2800, s6  }
0x9: {  	_ =	strace $0x8000004D;
	s9 =	smul.u32 $0x13C000, s6;
	s6 =	ssub.s32 $0x2, s6  }
0xa: {  	s28 =	sshrl.u32 s26, $0x3;
	s11 =	sshrl.u32 s6, $0x1;
	s30 =	sshrl.u32 s29, $0x2  }
0xb: {  	s4 =	sadd.s32 s7, s4;
	s7 =	sadd.s32 s26, s9;
	s11 =	ssub.s32 s6, s11  }
0xc: {  	s12 =	sadd.s32 s30, s2;
	s6 =	sor.u32 $0x1C03, s31;
	s8 =	sshrl.u32 s4, $0x3  }
0xd: {  	s7 =	sshrl.u32 s7, $0x3;
	s10 =	sadd.s32 s8, s5;
	s8 =	sadd.s32 s28, s5  }
0xe: {  	s4 =	sadd.s32 $0x8D400, s5;
	s7 =	sadd.s32 s7, s5;
	s5 =	sadd.s32 $0x16C00, s8  }
0xf: {  	s7 =	sadd.s32 $0xB4C00, s7;
	s8 =	smax.u32 s11, $0x1;
	s9 =	sadd.s32 $0x2C00, s10  }
0x10: {  	s10 =	sadd.s32 $0xCC00, s10;
	s11 =	sshrl.u32 s12, $0x3;
	s12 =	simm.s32 $0x3  }
.LBB2_1:
0x11: {  	[spmem:s11], [sflag:s6] =	dma.local [hbm:s5], $0x2780  }
0x12: {  	_ =	swait.ge [sflag:s12], $0x2780  }
0x13: {  	[sflag:s12] =	ssyncset.done $0x0  }
0x14: {  	[sflag:s12] =	ssyncadd.s32 $0xFFFFD880  }
0x15: {  	s21 =	sadd.s32 $0x0, s9;
	[bflag:$0x0] =	sbarrier.arrive $0xFFFF  }
0x16: {  	[tilespmem:s3], [sflag:$0x3] =	stream.linear.gather [hbm4b:s21+s3], $0x80, $0x38;
	[tilespmem:$0x1BE00] =	vst v63  }
0x17: {  	_ =	swait.ge [sflag:s12], $0x80  }
0x18: {  	[sflag:s12] =	ssyncset.done $0x0  }
0x19: {  	s21 =	sadd.s32 $0x10, s21;
	[sflag:s12] =	ssyncadd.s32 $0xFFFFFF80  }
0x1a: {  	[tilespmem:s13], [sflag:$0x3] =	stream.linear.gather [hbm4b:s21+s3], $0x80, $0x38;
	[tilespmem:$0x1BE00] =	vst v63  }
0x1b: {  	_ =	swait.ge [sflag:s12], $0x80  }
0x1c: {  	[sflag:s12] =	ssyncset.done $0x0  }
0x1d: {  	s31 =	sadd.s32 $0x0, s10;
	[sflag:s12] =	ssyncadd.s32 $0xFFFFFF80  }
0x1e: {  	[tilespmem:s14], [sflag:$0x3] =	stream.linear.gather [hbm4b:s31+s3], $0x80, $0x38;
	[tilespmem:$0x1BE00] =	vst v63  }
0x1f: {  	_ =	swait.ge [sflag:s12], $0x80  }
0x20: {  	[sflag:s12] =	ssyncset.done $0x0  }
0x21: {  	s21 =	sadd.s32 $0x10, s31;
	[sflag:s12] =	ssyncadd.s32 $0xFFFFFF80  }
0x22: {  	[tilespmem:s15], [sflag:$0x3] =	stream.linear.gather [hbm4b:s21+s3], $0x80, $0x38;
	[tilespmem:$0x1BE00] =	vst v63  }
0x23: {  	_ =	swait.ge [sflag:s12], $0x80  }
0x24: {  	[sflag:s12] =	ssyncset.done $0x0  }
0x25: {  	[sflag:s12] =	ssyncadd.s32 $0xFFFFFF80  }
0x26: {  	[tilespmem:s16], [sflag:$0x1] =	stream.indirect.gather [hbm4b:s4+s13], $0x80, s3, s13, $0xb8;
	[tilespmem:$0x1BE00] =	vst v63  }
0x27: {  	_ = 	snop  }
0x28: {  	[tilespmem:s17], [sflag:$0x2] =	stream.indirect.gather [hbm4b:s4+s13], $0x80, s13, s13, $0xb8;
	[tilespmem:$0x1BE00] =	vst v63  }
0x29: {  	_ =	swait.ge [sflag:s18], $0x4000  }
0x2a: {  	[sflag:s18] =	ssyncset.done $0x0  }
0x2b: {  	[sflag:s18] =	ssyncadd.s32 $0xFFFFC000  }
0x2c: {  	[spmem:s2] =	stream.indirect.scatter.add.f32 [tilespmem:s16], [sflag:$0x3], $0x80, s14, s13, $0xb8;
	[tilespmem:$0x1BE00] =	vst v63  }
0x2d: {  	_ =	swait.ge [sflag:s12], $0x4000  }
0x2e: {  	[sflag:s12] =	ssyncset.done $0x0  }
0x2f: {  	[sflag:s12] =	ssyncadd.s32 $0xFFFFC000  }
0x30: {  	_ =	swait.ge [sflag:s19], $0x4000  }
0x31: {  	[sflag:s19] =	ssyncset.done $0x0  }
0x32: {  	[sflag:s19] =	ssyncadd.s32 $0xFFFFC000  }
0x33: {  	[spmem:s2] =	stream.indirect.scatter.add.f32 [tilespmem:s17], [sflag:$0x3], $0x80, s15, s13, $0xb8;
	[tilespmem:$0x1BE00] =	vst v63  }
0x34: {  	_ =	swait.ge [sflag:s12], $0x4000  }
0x35: {  	s23 =	simm.s32 $0x40;
	s21 =	simm.s32 $0x20;
	[sflag:s12] =	ssyncset.done $0x0  }
.LBB2_2:
0x36: {  	s24 =	sadd.s32 s21, s9  }
0x37: {  	[sflag:s12] =	ssyncadd.s32 $0xFFFFC000;
	s25 =	smov.u32 s23;
	s22 =	sadd.s32 $0x20, s23  }
0x38: {  	[tilespmem:s3], [sflag:$0x3] =	stream.linear.gather [hbm4b:s24+s3], $0x80, $0x38;
	[tilespmem:$0x1BE00] =	vst v63  }
0x39: {  	p0 =	sne.s32 s23, $0x4E0;
	_ =	swait.ge [sflag:s12], $0x80  }
0x3a: {  	[sflag:s12] =	ssyncset.done $0x0  }
0x3b: {  	s23 =	sadd.s32 $0x10, s24;
	[sflag:s12] =	ssyncadd.s32 $0xFFFFFF80  }
0x3c: {  	[tilespmem:s13], [sflag:$0x3] =	stream.linear.gather [hbm4b:s23+s3], $0x80, $0x38;
	[tilespmem:$0x1BE00] =	vst v63  }
0x3d: {  	_ =	swait.ge [sflag:s12], $0x80  }
0x3e: {  	[sflag:s12] =	ssyncset.done $0x0  }
0x3f: {  	s23 =	sadd.s32 s21, s10;
	s21 =	smov.u32 s25;
	[sflag:s12] =	ssyncadd.s32 $0xFFFFFF80  }
0x40: {  	[tilespmem:s14], [sflag:$0x3] =	stream.linear.gather [hbm4b:s23+s3], $0x80, $0x38;
	[tilespmem:$0x1BE00] =	vst v63  }
0x41: {  	_ =	swait.ge [sflag:s12], $0x80  }
0x42: {  	[sflag:s12] =	ssyncset.done $0x0  }
0x43: {  	s23 =	sadd.s32 $0x10, s23;
	[sflag:s12] =	ssyncadd.s32 $0xFFFFFF80  }
0x44: {  	[tilespmem:s15], [sflag:$0x3] =	stream.linear.gather [hbm4b:s23+s3], $0x80, $0x38;
	[tilespmem:$0x1BE00] =	vst v63  }
0x45: {  	_ =	swait.ge [sflag:s12], $0x80  }
0x46: {  	[sflag:s12] =	ssyncset.done $0x0  }
0x47: {  	[sflag:s12] =	ssyncadd.s32 $0xFFFFFF80  }
0x48: {  	[tilespmem:s16], [sflag:$0x1] =	stream.indirect.gather [hbm4b:s4+s13], $0x80, s3, s13, $0xb8;
	[tilespmem:$0x1BE00] =	vst v63  }
0x49: {  	_ = 	snop  }
0x4a: {  	[tilespmem:s17], [sflag:$0x2] =	stream.indirect.gather [hbm4b:s4+s13], $0x80, s13, s13, $0xb8;
	[tilespmem:$0x1BE00] =	vst v63  }
0x4b: {  	_ =	swait.ge [sflag:s18], $0x4000  }
0x4c: {  	[sflag:s18] =	ssyncset.done $0x0  }
0x4d: {  	[sflag:s18] =	ssyncadd.s32 $0xFFFFC000  }
0x4e: {  	[spmem:s2] =	stream.indirect.scatter.add.f32 [tilespmem:s16], [sflag:$0x3], $0x80, s14, s13, $0xb8;
	[tilespmem:$0x1BE00] =	vst v63  }
0x4f: {  	_ =	swait.ge [sflag:s12], $0x4000  }
0x50: {  	[sflag:s12] =	ssyncset.done $0x0  }
0x51: {  	[sflag:s12] =	ssyncadd.s32 $0xFFFFC000  }
0x52: {  	_ =	swait.ge [sflag:s19], $0x4000  }
.Ltmp0:
0x53: {  	[sflag:s19] =	ssyncset.done $0x0;
	(pc) =	sbr.rel @p0 .LBB2_2-.Ltmp0, $4  }
0x54: {  	[sflag:s19] =	ssyncadd.s32 $0xFFFFC000  }
0x55: {  	[spmem:s2] =	stream.indirect.scatter.add.f32 [tilespmem:s17], [sflag:$0x3], $0x80, s15, s13, $0xb8;
	[tilespmem:$0x1BE00] =	vst v63  }
0x56: {  	_ =	swait.ge [sflag:s12], $0x4000  }
0x57: {  	s23 =	smov.u32 s22;
	[sflag:s12] =	ssyncset.done $0x0  }
0x58: {  	s22 =	sadd.s32 s21, s9;
	[sflag:s12] =	ssyncadd.s32 $0xFFFFC000  }
0x59: {  	[tilespmem:s3], [sflag:$0x3] =	stream.linear.gather [hbm4b:s22+s3], $0x80, $0x38;
	[tilespmem:$0x1BE00] =	vst v63  }
0x5a: {  	_ =	swait.ge [sflag:s12], $0x80  }
0x5b: {  	[sflag:s12] =	ssyncset.done $0x0  }
0x5c: {  	s22 =	sadd.s32 $0x10, s22;
	[sflag:s12] =	ssyncadd.s32 $0xFFFFFF80  }
0x5d: {  	[tilespmem:s13], [sflag:$0x3] =	stream.linear.gather [hbm4b:s22+s3], $0x80, $0x38;
	[tilespmem:$0x1BE00] =	vst v63  }
0x5e: {  	_ =	swait.ge [sflag:s12], $0x80  }
0x5f: {  	[sflag:s12] =	ssyncset.done $0x0  }
0x60: {  	s31 =	sadd.s32 s21, s10;
	[sflag:s12] =	ssyncadd.s32 $0xFFFFFF80  }
0x61: {  	[tilespmem:s14], [sflag:$0x3] =	stream.linear.gather [hbm4b:s31+s3], $0x80, $0x38;
	[tilespmem:$0x1BE00] =	vst v63  }
0x62: {  	_ =	swait.ge [sflag:s12], $0x80  }
0x63: {  	[sflag:s12] =	ssyncset.done $0x0  }
0x64: {  	s21 =	sadd.s32 $0x10, s31;
	[sflag:s12] =	ssyncadd.s32 $0xFFFFFF80  }
0x65: {  	[tilespmem:s15], [sflag:$0x3] =	stream.linear.gather [hbm4b:s21+s3], $0x80, $0x38;
	[tilespmem:$0x1BE00] =	vst v63  }
0x66: {  	_ =	swait.ge [sflag:s12], $0x80  }
0x67: {  	[sflag:s12] =	ssyncset.done $0x0  }
0x68: {  	[sflag:s12] =	ssyncadd.s32 $0xFFFFFF80  }
0x69: {  	[tilespmem:s16], [sflag:$0x1] =	stream.indirect.gather [hbm4b:s4+s13], $0x80, s3, s13, $0xb8;
	[tilespmem:$0x1BE00] =	vst v63  }
0x6a: {  	_ = 	snop  }
0x6b: {  	[tilespmem:s17], [sflag:$0x2] =	stream.indirect.gather [hbm4b:s4+s13], $0x80, s13, s13, $0xb8;
	[tilespmem:$0x1BE00] =	vst v63  }
0x6c: {  	_ =	swait.ge [sflag:s18], $0x4000  }
0x6d: {  	[sflag:s18] =	ssyncset.done $0x0  }
0x6e: {  	[sflag:s18] =	ssyncadd.s32 $0xFFFFC000  }
0x6f: {  	[spmem:s2] =	stream.indirect.scatter.add.f32 [tilespmem:s16], [sflag:$0x3], $0x80, s14, s13, $0xb8;
	[tilespmem:$0x1BE00] =	vst v63  }
0x70: {  	_ =	swait.ge [sflag:s12], $0x4000  }
0x71: {  	[sflag:s12] =	ssyncset.done $0x0  }
0x72: {  	[sflag:s12] =	ssyncadd.s32 $0xFFFFC000  }
0x73: {  	_ =	swait.ge [sflag:s19], $0x4000  }
0x74: {  	[sflag:s19] =	ssyncset.done $0x0  }
0x75: {  	[sflag:s19] =	ssyncadd.s32 $0xFFFFC000  }
0x76: {  	[spmem:s2] =	stream.indirect.scatter.add.f32 [tilespmem:s17], [sflag:$0x3], $0x80, s15, s13, $0xb8;
	[tilespmem:$0x1BE00] =	vst v63  }
0x77: {  	_ =	swait.ge [sflag:s12], $0x4000  }
0x78: {  	s20 =	sadd.s32 $0x1, s20;
	[sflag:s12] =	ssyncset.done $0x0  }
0x79: {  	p0 =	sne.s32 s20, s8;
	[sflag:s12] =	ssyncadd.s32 $0xFFFFC000  }
.Ltmp1:
0x7a: {  	[bflag:$0x0] =	sbarrier.arrive $0xFFFF;
	(pc) =	sbr.rel @p0 .LBB2_1-.Ltmp1, $4  }
0x7b: {  	[hbm:s7], [sflag:s6] =	dma.local [spmem:s11], $0x2780  }
0x7c: {  	_ =	swait.ge [sflag:s12], $0x2780  }
0x7d: {  	[sflag:s12] =	ssyncset.done $0x0  }
0x7e: {  	[sflag:s12] =	ssyncadd.s32 $0xFFFFD880  }
0x7f: {  	_ =	sfence.sel $0x180000  }
0x80: {  	[bflag:$0x0] =	sbarrier.arrive $0xFFFF  }
0x81: {  	p0 =	sne.s32 s0, $0x0;
	_ =	strace $0x9000004D  }
0x82: {  	s0 =	sadd.s32 @!p0 $0x100000, s1;
	[bflag:$0x2] =	sbarrier.arrive $0xFFFF  }
0x83: {  	[sflag:s0] =	ssyncadd.tile.s32 @!p0 $0x1;
	_ =	shalt  }
.Lfunc_end2:
_tile_overlayer_lowered:
.L_overlay_start_2:
0x84: {  	(tag) =	ssettag $0x2  }
0x85: {  	s0 =	rddreg [dreg:$0x0];
	s2 =	stileid.u32  }
0x86: {  	s1 =	rddreg [dreg:$0x1];
	p0 =	sne.s32 s2, $0x0  }
0x87: {  	s3 =	rddreg [dreg:$0x2];
	[bflag:$0x3] =	sbarrier.arrive $0xFFFF;
	s2 =	simm.s32 @!p0 $0x1C03  }
0x88: {  	[timem:s3], [sflag:s2] =	dma.local @!p0 [hbm:s0], s1  }
0x89: {  	s0 =	simm.s32 @!p0 $0x3  }
0x8a: {  	_ =	swait.ge @!p0 [sflag:s0], s1  }
0x8b: {  	s1 =	ssub.s32 @!p0 $0x0, s1;
	[sflag:s0] =	ssyncset.done @!p0 $0x0  }
0x8c: {  	[sflag:s0] =	ssyncadd.s32 @!p0 s1  }
0x8d: {  	[bflag:$0x3] =	sbarrier.arrive $0xFFFF  }
0x8e: {  	_ =	shalt  }

// kernel: kernel.8.cloned.1.call-start
scs
__scs_entry_jumppad:
0x0: {  	(pc) =	sbr.rel $0x88, $3  }
0x1: {  	(tag) =	ssettag $0x0;
	lr =	simm.s32 $0x1  }
0x2: {  	[smem:$0x3F9B] =	sst lr;
	_ =	strace $0xD0000000  }
0x3: {  	_ = 	snop  }
0x4: {  	_ = 	snop  }
0x5: {  	_ = 	snop  }
0x6: {  	_ = 	snop  }
0x7: {  	_ = 	snop  }
__scs_overlays_trampoline_lowered:
0x8: {  	[smem:$0x3FAA] =	sst s0  }
0x9: {  	[smem:$0x3FAB] =	sst s1  }
0xa: {  	[smem:$0x3FAC] =	sst s2  }
0xb: {  	[smem:$0x3FAD] =	sst s3  }
0xc: {  	[smem:$0x3FAE] =	sst s4  }
0xd: {  	[smem:$0x3FAF] =	sst s5  }
0xe: {  	[smem:$0x3FB0] =	sst s6  }
0xf: {  	[smem:$0x3FB1] =	sst s7  }
0x10: {  	[smem:$0x3FB2] =	sst s8  }
0x11: {  	[smem:$0x3FB3] =	sst s9;
	s0 =	simm.s32 @!p0 $0x0  }
0x12: {  	s1 =	sld [smem:$0x3F99];
	s0 =	simm.s32 @p0 $0x1  }
0x13: {  	[smem:$0x3FB4] =	sst s0;
	s0 =	simm.s32 @!p1 $0x0  }
0x14: {  	s2 =	sld [smem:$0x3F98];
	s0 =	simm.s32 @p1 $0x1  }
0x15: {  	[smem:$0x3FB5] =	sst s0;
	s0 =	simm.s32 @!p2 $0x0  }
0x16: {  	s3 =	sld [smem:$0x3FDB];
	s0 =	simm.s32 @p2 $0x1  }
0x17: {  	s4 =	simm.s32 $0x1BF5;
	[smem:$0x3FB7] =	sst s0  }
0x18: {  	s0 =	sld [smem:$0x3F9A];
	_ =	swait.ge [sflag:s4], $0x0  }
0x19: {  	s7 =	sld [smem:$0x3F9B]  }
0x1a: {  	s8 =	sadd.s32 $0xFFFFE003, lr  }
0x1b: {  	s9 =	sadd.s32 $0xFFFFFEF7, lr;
	s5 =	simm.s32 $0xFFFFFFFF;
	p2 =	slt.u32 s8, $0xFFFFF086  }
0x1c: {  	p1 =	slt.u32 s9, $0xF7A;
	s5 =	simm.s32 @!p2 $0x0  }
0x1d: {  	s5 =	simm.s32 @p1 $0x1;
	p0 =	seq.s32 s7, s2  }
0x1e: {  	s7 =	smul.u32 @!p0 $0xF7A, s2;
	p2 =	seq.s32 @!p0 s5, $0x0  }
0x1f: {  	s9 =	smul.u32 $0xF7A, s1;
	s8 =	simm.s32 @!p0 $0x1BF5;
	p2 =	por !p2, p0  }
0x20: {  	[sflag:s8] =	ssyncset.s32 @!p0 $0xFFFFF086;
	s6 =	sadd.s32 @!p0 s3, s7;
	s7 =	simm.s32 @!p0 $0x108  }
0x21: {  	s3 =	sadd.s32 s3, s9;
	s6 =	sadd.s32 @!p0 $0x88, s6;
	s7 =	simm.s32 @p2 $0x1082  }
0x22: {  	[simem:s7], [sflag:s8] =	dma.local @!p0 [hbm:s6], $0xF7A  }
0x23: {  	s9 =	sor.u32 $0xD0000000, s2;
	s6 =	simm.s32 $0x108;
	_ =	swait.ge @!p0 [sflag:s8], $0x0  }
0x24: {  	s3 =	sadd.s32 $0x88, s3;
	s6 =	simm.s32 @!p1 $0x1082;
	[sflag:s4] =	ssyncset.s32 $0xFFFFF086  }
0x25: {  	[simem:s6], [sflag:s4] =	dma.local [hbm:s3], $0xF7A  }
0x26: {  	[smem:$0x3F9B] =	sst s1;
	(tag) =	ssettag s2;
	_ =	strace s9  }
0x27: {  	s1 =	sld [smem:$0x3FAB]  }
0x28: {  	s2 =	sld [smem:$0x3FAC]  }
0x29: {  	s4 =	sld [smem:$0x3FAE]  }
0x2a: {  	p0 =	seq.s32 s5, $0x0;
	s5 =	sld [smem:$0x3FAF]  }
0x2b: {  	s6 =	sld [smem:$0x3FB0]  }
0x2c: {  	s7 =	sld [smem:$0x3FB1]  }
0x2d: {  	s3 =	simm.s32 $0x108;
	s8 =	sld [smem:$0x3FB2]  }
0x2e: {  	s3 =	simm.s32 @!p0 $0x1082;
	s9 =	sld [smem:$0x3FB3]  }
0x2f: {  	lr =	sadd.s32 s0, s3;
	s0 =	sld [smem:$0x3FAA]  }
0x30: {  	s3 =	sld [smem:$0x3FAD]  }
0x31: {  	[smem:$0x3FB6] =	sst s10  }
0x32: {  	s10 =	sld [smem:$0x3FB4];
	_ =	sdelay $0x3  }
0x33: {  	p0 =	seq.s32 s10, $0x1;
	s10 =	sld [smem:$0x3FB6];
	_ =	sdelay $0x3  }
0x34: {  	[smem:$0x3FB6] =	sst s10  }
0x35: {  	s10 =	sld [smem:$0x3FB5];
	_ =	sdelay $0x3  }
0x36: {  	p1 =	seq.s32 s10, $0x1;
	s10 =	sld [smem:$0x3FB6];
	_ =	sdelay $0x3  }
0x37: {  	[smem:$0x3FB6] =	sst s10  }
0x38: {  	s10 =	sld [smem:$0x3FB7]  }
0x39: {  	_ = 	snop;
	(pc) =	sbr.ind lr, $3  }
0x3a: {  	_ = 	snop  }
0x3b: {  	_ = 	snop  }
0x3c: {  	p2 =	seq.s32 s10, $0x1;
	s10 =	sld [smem:$0x3FB6]  }
0x3d: {  	_ =	shalt  }
0x3e: {  	_ =	shalt  }
0x3f: {  	_ =	shalt  }
0x40: {  	_ =	shalt  }
0x41: {  	_ =	shalt  }
0x42: {  	_ =	shalt  }
0x43: {  	_ =	shalt  }
0x44: {  	_ =	shalt  }
0x45: {  	_ =	shalt  }
0x46: {  	_ =	shalt  }
0x47: {  	_ =	shalt  }
0x48: {  	_ =	shalt  }
0x49: {  	_ =	shalt  }
0x4a: {  	_ =	shalt  }
0x4b: {  	_ =	shalt  }
0x4c: {  	_ =	shalt  }
0x4d: {  	_ =	shalt  }
0x4e: {  	_ =	shalt  }
0x4f: {  	_ =	shalt  }
0x50: {  	_ =	shalt  }
0x51: {  	_ =	shalt  }
0x52: {  	_ =	shalt  }
0x53: {  	_ =	shalt  }
0x54: {  	_ =	shalt  }
0x55: {  	_ =	shalt  }
0x56: {  	_ =	shalt  }
0x57: {  	_ =	shalt  }
0x58: {  	_ =	shalt  }
0x59: {  	_ =	shalt  }
0x5a: {  	_ =	shalt  }
0x5b: {  	_ =	shalt  }
0x5c: {  	_ =	shalt  }
0x5d: {  	_ =	shalt  }
0x5e: {  	_ =	shalt  }
0x5f: {  	_ =	shalt  }
0x60: {  	_ =	shalt  }
0x61: {  	_ =	shalt  }
0x62: {  	_ =	shalt  }
0x63: {  	_ =	shalt  }
0x64: {  	_ =	shalt  }
0x65: {  	_ =	shalt  }
0x66: {  	_ =	shalt  }
0x67: {  	_ =	shalt  }
0x68: {  	_ =	shalt  }
0x69: {  	_ =	shalt  }
0x6a: {  	_ =	shalt  }
0x6b: {  	_ =	shalt  }
0x6c: {  	_ =	shalt  }
0x6d: {  	_ =	shalt  }
0x6e: {  	_ =	shalt  }
0x6f: {  	_ =	shalt  }
0x70: {  	_ =	shalt  }
0x71: {  	_ =	shalt  }
0x72: {  	_ =	shalt  }
0x73: {  	_ =	shalt  }
0x74: {  	_ =	shalt  }
0x75: {  	_ =	shalt  }
0x76: {  	_ =	shalt  }
0x77: {  	_ =	shalt  }
0x78: {  	_ =	shalt  }
0x79: {  	_ =	shalt  }
0x7a: {  	_ =	shalt  }
0x7b: {  	_ =	shalt  }
0x7c: {  	_ =	shalt  }
0x7d: {  	_ =	shalt  }
0x7e: {  	_ =	shalt  }
0x7f: {  	_ =	shalt  }
0x80: {  	_ =	shalt  }
0x81: {  	_ =	shalt  }
0x82: {  	_ =	shalt  }
0x83: {  	_ =	shalt  }
0x84: {  	_ =	shalt  }
0x85: {  	_ =	shalt  }
0x86: {  	_ =	shalt  }
0x87: {  	_ =	shalt  }
.Lfunc_end0:
.L_simem_size_0:
called_computation_lowered:
.L_overlay_start_0:
0x88: {  	s2 =	sld [smem:$0x3FD9]  }
0x89: {  	s3 =	sld [smem:$0x3FFE];
	_ =	sdelay $0x1  }
0x8a: {  	s1 =	srdreg.scid  }
0x8b: {  	s0 =	sand.u32 $0x1, s1  }
0x8c: {  	s17 =	sshll.u32 s0, $0xA;
	s2 =	sadd.s32 s3, s2  }
0x8d: {  	s2 =	sadd.s32 s2, s17  }
0x8e: {  	[smem:$0x3FC2] =	sst s2  }
0x8f: {  	_ = 	snop  }
0x90: {  	s2 =	sld [smem:$0x3FD0];
	(tm) =	ssettm $0x1  }
0x91: {  	s18 =	sld [smem:$0x3FFB];
	_ =	sdelay $0x3  }
0x92: {  	_ =	strace s18  }
0x93: {  	s3 =	sld [smem:$0x3FFC];
	_ =	sdelay $0x3  }
0x94: {  	_ =	strace s3  }
0x95: {  	s3 =	sld [smem:$0x3FFD];
	_ =	sdelay $0x3  }
0x96: {  	_ =	strace s3  }
0x97: {  	_ =	strace $0x8FFFFFFF  }
0x98: {  	s19 =	sld [smem:$0x3FDB];
	_ =	sdelay $0x1  }
0x99: {  	s4 =	simm.s32 $_scs_section_size  }
0x9a: {  	s5 =	simm.s32 $_size__tile_overlayer_lowered;
	s6 =	simm.s32 $_tile_overlayer_lowered  }
0x9b: {  	s22 =	simm.s32 $0x1BFF;
	s21 =	sshll.u32 s6, $0x1;
	s3 =	sadd.s32 s4, s19  }
0x9c: {  	s7 =	simm.s32 $0x0;
	s20 =	sshll.u32 s5, $0x1;
	s5 =	sadd.s32 s21, s3  }
0x9d: {  	[timem:s7], [sflag:s22] =	dma.local [hbm:s5], s20  }
0x9e: {  	_ =	swait.ge [sflag:s22], s20  }
0x9f: {  	s4 =	ssub.s32 $0x0, s20;
	[sflag:s22] =	ssyncset.done $0x0  }
0xa0: {  	[sflag:s22] =	ssyncadd.s32 s4;
	_ =	sdelay $0x1  }
0xa1: {  	s23 =	simm.s32 $0x1B8B  }
0xa2: {  	_ =	swait.ge [sflag:s23], $0x1  }
0xa3: {  	[sflag:s23] =	ssyncset.done $0x0  }
0xa4: {  	s25 =	simm.s32 $0x1B8E;
	s24 =	sld [smem:$0x3FFE];
	[sflag:s23] =	ssyncadd.s32 $0xFFFFFFFF  }
0xa5: {  	s26 =	simm.s32 $execute0_lowered;
	[smem:$0x3FD2] =	sst s25  }
0xa6: {  	s5 =	sshll.u32 s26, $0x1;
	_ =	strace $0x80000046;
	[dreg:$0x1] =	wrdreg $0xFFFFFFFF  }
0xa7: {  	s28 =	simm.s32 $_size_execute0_lowered;
	s3 =	sadd.s32 s3, s5;
	[dreg:$0x0] =	wrdreg $0x0  }
0xa8: {  	s5 =	sshll.u32 s28, $0x1;
	[dreg:$0x2] =	wrdreg s3  }
0xa9: {  	[dreg:$0x3] =	wrdreg s5  }
0xaa: {  	[dreg:$0x4] =	wrdreg $0xC0  }
0xab: {  	_ =	task [dreg:s7], $0x5FFFF  }
0xac: {  	[dreg:$0x1] =	wrdreg $0xFFFFFFFF  }
0xad: {  	[dreg:$0x0] =	wrdreg $0x60  }
0xae: {  	[dreg:$0x2] =	wrdreg s24  }
0xaf: {  	[dreg:$0x3] =	wrdreg s2  }
0xb0: {  	[dreg:$0x4] =	wrdreg $0x40800  }
0xb1: {  	[dreg:$0x5] =	wrdreg $0x9  }
0xb2: {  	_ =	task.clear_ibuf [dreg:s7], $0x6FFFF;
	_ =	strace $0x90000046  }
0xb3: {  	s29 =	simm.s32 $0x9;
	_ =	strace $0x80000048  }
0xb4: {  	_ =	swait.ge [sflag:s29], $0x1  }
0xb5: {  	[sflag:s29] =	ssyncadd.s32 $0xFFFFFFFF  }
0xb6: {  	_ =	strace $0x90000048  }
0xb7: {  	_ =	sfence  }
0xb8: {  	s30 =	sld [smem:$0x0];
	_ =	sdelay $0x2  }
0xb9: {  	s31 =	sshll.u32 s1, $0xD;
	s1 =	sshrl.u32 s1, $0x2  }
0xba: {  	s3 =	sand.u32 $0x4000, s31;
	s1 =	sadd.s32 s1, s30  }
0xbb: {  	s0 =	sor.u32 s3, s0;
	s1 =	sshll.u32 s1, $0x11  }
0xbc: {  	s0 =	sor.u32 s1, s0  }
0xbd: {  	s0 =	sadd.s32 $0x8F2B, s0  }
0xbe: {  	[sflag:s0] =	ssyncadd.remote.s32 $0x1  }
0xbf: {  	_ =	sfence.sel $0xFFFF  }
0xc0: {  	[dreg:$0x0] =	wrdreg $0xFFFFFFFF;
	(pc) =	sbr.abs _section_cstart, $3  }
0xc1: {  	[dreg:$0x1] =	wrdreg $0xFFFFFFFF  }
0xc2: {  	_ =	task.clear_ibuf [dreg:s7], $0x2FFFF;
	_ =	strace $0x9FFFFFFF  }
0xc3: {  	(tm) =	ssettm $0x7FFFFFFF  }
tec
execute0_lowered:
.L_overlay_start_1:
0x0: {  	(tag) =	ssettag $0x1  }
0x1: {  	s5 =	rddreg [dreg:$0x0]  }
0x2: {  	s2 =	rddreg [dreg:$0x1]  }
0x3: {  	s3 =	rddreg [dreg:$0x2]  }
0x4: {  	s0 =	rddreg [dreg:$0x3];
	s1 =	stileid.u32  }
0x5: {  	s7 =	srdreg.scid;
	s6 =	smul.u32 $0xA00, s1  }
0x6: {  	s4 =	simm.s32 $0x0;
	s13 =	simm.s32 $0x0;
	s8 =	smul.u32 $0x13C00, s1  }
0x7: {  	s7 =	sand.u32 $0x1, s7;
	[smem:$0x7FF] =	sst s4;
	s11 =	smul.u32 $0x4F000, s1  }
0x8: {  	s31 =	sshll.u32 s1, $0x6;
	s9 =	smul.u32 $0x13C000, s7;
	_ =	strace $0x80000047  }
0x9: {  	s26 =	ssub.s32 $0x2, s7;
	s30 =	smul.u32 $0x500, s7;
	s10 =	sadd.s32 s6, s5  }
0xa: {  	s25 =	sshrl.u32 s8, $0x3;
	s28 =	sshrl.u32 s26, $0x1;
	s29 =	sshrl.u32 s11, $0x2  }
0xb: {  	s11 =	simm.s32 $0x1;
	s8 =	sadd.s32 s8, s9;
	s6 =	sadd.s32 s25, s5  }
0xc: {  	s9 =	ssub.s32 s26, s28;
	s12 =	sadd.s32 s29, s3;
	s8 =	sshrl.u32 s8, $0x3  }
0xd: {  	s10 =	sadd.s32 s30, s10;
	s8 =	sadd.s32 s8, s5;
	s5 =	sadd.s32 $0x16C00, s6  }
0xe: {  	s6 =	sor.u32 $0x1C01, s31;
	s7 =	sadd.s32 $0x3E400, s8;
	s8 =	smax.u32 s9, $0x1  }
0xf: {  	s9 =	sadd.s32 $0xCC00, s10;
	s10 =	sshrl.u32 s12, $0x3;
	s12 =	simm.s32 $0x80  }
.LBB2_1:
0x10: {  	[spmem:s10], [sflag:s6] =	dma.local [hbm:s5], $0x2780  }
0x11: {  	_ =	swait.ge [sflag:s11], $0x2780  }
0x12: {  	[sflag:s11] =	ssyncset.done $0x0  }
0x13: {  	[sflag:s11] =	ssyncadd.s32 $0xFFFFD880  }
0x14: {  	[tilespmem:s12], [sflag:$0x1] =	stream.linear.gather [hbm4b:s2+s4], $0x4000, $0x38;
	[tilespmem:$0x17C80] =	vst v63  }
0x15: {  	_ =	swait.ge [sflag:s11], $0x4000  }
0x16: {  	[sflag:s11] =	ssyncset.done $0x0  }
0x17: {  	[sflag:s11] =	ssyncadd.s32 $0xFFFFC000  }
0x18: {  	s14 =	sadd.s32 $0x0, s9;
	[bflag:$0x0] =	sbarrier.arrive $0xFFFF  }
0x19: {  	[tilespmem:s4], [sflag:$0x1] =	stream.linear.gather [hbm4b:s14+s4], $0x80, $0x38;
	[tilespmem:$0x17C80] =	vst v63  }
0x1a: {  	_ =	swait.ge [sflag:s11], $0x80  }
0x1b: {  	[sflag:s11] =	ssyncset.done $0x0  }
0x1c: {  	[sflag:s11] =	ssyncadd.s32 $0xFFFFFF80  }
0x1d: {  	[spmem:s3] =	stream.indirect.scatter.add.f32 [tilespmem:s12], [sflag:$0x1], $0x80, s4, s12, $0xb8;
	[tilespmem:$0x17C80] =	vst v63  }
0x1e: {  	_ =	swait.ge [sflag:s11], $0x4000  }
0x1f: {  	s15 =	simm.s32 $0x20;
	s14 =	simm.s32 $0x10;
	[sflag:s11] =	ssyncset.done $0x0  }
.LBB2_2:
0x20: {  	s16 =	sadd.s32 s14, s9  }
0x21: {  	[sflag:s11] =	ssyncadd.s32 $0xFFFFC000;
	s14 =	smov.u32 s15;
	s17 =	sadd.s32 $0x10, s15  }
0x22: {  	[tilespmem:s4], [sflag:$0x1] =	stream.linear.gather [hbm4b:s16+s4], $0x80, $0x38;
	[tilespmem:$0x17C80] =	vst v63  }
0x23: {  	p0 =	sne.s32 s15, $0x4F0;
	_ =	swait.ge [sflag:s11], $0x80  }
.Ltmp0:
0x24: {  	[sflag:s11] =	ssyncset.done $0x0;
	(pc) =	sbr.rel @p0 .LBB2_2-.Ltmp0, $4  }
0x25: {  	[sflag:s11] =	ssyncadd.s32 $0xFFFFFF80  }
0x26: {  	[spmem:s3] =	stream.indirect.scatter.add.f32 [tilespmem:s12], [sflag:$0x1], $0x80, s4, s12, $0xb8;
	[tilespmem:$0x17C80] =	vst v63  }
0x27: {  	_ =	swait.ge [sflag:s11], $0x4000  }
0x28: {  	s15 =	smov.u32 s17;
	[sflag:s11] =	ssyncset.done $0x0  }
0x29: {  	s14 =	sadd.s32 s14, s9;
	[sflag:s11] =	ssyncadd.s32 $0xFFFFC000  }
0x2a: {  	[tilespmem:s4], [sflag:$0x1] =	stream.linear.gather [hbm4b:s14+s4], $0x80, $0x38;
	[tilespmem:$0x17C80] =	vst v63  }
0x2b: {  	_ =	swait.ge [sflag:s11], $0x80  }
0x2c: {  	[sflag:s11] =	ssyncset.done $0x0  }
0x2d: {  	[sflag:s11] =	ssyncadd.s32 $0xFFFFFF80  }
0x2e: {  	[spmem:s3] =	stream.indirect.scatter.add.f32 [tilespmem:s12], [sflag:$0x1], $0x80, s4, s12, $0xb8;
	[tilespmem:$0x17C80] =	vst v63  }
0x2f: {  	_ =	swait.ge [sflag:s11], $0x4000  }
0x30: {  	s13 =	sadd.s32 $0x1, s13;
	[sflag:s11] =	ssyncset.done $0x0  }
0x31: {  	p0 =	sne.s32 s13, s8;
	[sflag:s11] =	ssyncadd.s32 $0xFFFFC000  }
.Ltmp1:
0x32: {  	[bflag:$0x0] =	sbarrier.arrive $0xFFFF;
	(pc) =	sbr.rel @p0 .LBB2_1-.Ltmp1, $4  }
0x33: {  	[hbm:s7], [sflag:s6] =	dma.local [spmem:s10], $0x2780  }
0x34: {  	_ =	swait.ge [sflag:s11], $0x2780  }
0x35: {  	[sflag:s11] =	ssyncset.done $0x0  }
0x36: {  	[sflag:s11] =	ssyncadd.s32 $0xFFFFD880  }
0x37: {  	_ =	sfence.sel $0x180000  }
0x38: {  	[bflag:$0x0] =	sbarrier.arrive $0xFFFF  }
0x39: {  	p0 =	sne.s32 s1, $0x0;
	_ =	strace $0x90000047  }
0x3a: {  	s0 =	sadd.s32 @!p0 $0x100000, s0;
	[bflag:$0x2] =	sbarrier.arrive $0xFFFF  }
0x3b: {  	[sflag:s0] =	ssyncadd.tile.s32 @!p0 $0x1;
	_ =	shalt  }
.Lfunc_end2:
_tile_overlayer_lowered:
.L_overlay_start_2:
0x3c: {  	(tag) =	ssettag $0x2  }
0x3d: {  	s0 =	rddreg [dreg:$0x0];
	s2 =	stileid.u32  }
0x3e: {  	s1 =	rddreg [dreg:$0x1];
	p0 =	sne.s32 s2, $0x0  }
0x3f: {  	s3 =	rddreg [dreg:$0x2];
	[bflag:$0x3] =	sbarrier.arrive $0xFFFF;
	s2 =	simm.s32 @!p0 $0x1C01  }
0x40: {  	[timem:s3], [sflag:s2] =	dma.local @!p0 [hbm:s0], s1  }
0x41: {  	s0 =	simm.s32 @!p0 $0x1  }
0x42: {  	_ =	swait.ge @!p0 [sflag:s0], s1  }
0x43: {  	s1 =	ssub.s32 @!p0 $0x0, s1;
	[sflag:s0] =	ssyncset.done @!p0 $0x0  }
0x44: {  	[sflag:s0] =	ssyncadd.s32 @!p0 s1  }
0x45: {  	[bflag:$0x3] =	sbarrier.arrive $0xFFFF  }
0x46: {  	_ =	shalt  }

</sc_bundles>
